<compile_context>
chip_gen: v7x
topology: tpu7x:2x2x1
jax: 0.10.2.dev20260603
libtpu: 0.0.44.dev20260713+nightly
codegen_flags: <defaults>
</compile_context>

<pallas_src>
import functools

import jax
import jax.numpy as jnp
from jax import lax
from jax.experimental import pallas as pl
from jax.experimental.pallas import tpu as pltpu
from jax.experimental.pallas import tpu_sc as plsc

N_QUBITS = 10
DIM = 2 ** N_QUBITS
BATCH = 16384

NC, NS, L = 2, 16, 16
NW = NC * NS
B_PER_W = BATCH // NW
C = 32
NBUF = 2
NCHUNK = B_PER_W // C
SEGS = DIM // L


def _sc_onehot_body(x_hbm, out_hbm, idx_v, *bufs_and_sems):
    bufs = bufs_and_sems[:NBUF]
    sems = bufs_and_sems[NBUF:NBUF * 2]
    idx_sem = bufs_and_sems[NBUF * 2]
    wid = lax.axis_index("s") * NC + lax.axis_index("c")
    base = wid * B_PER_W

    idx_cp = pltpu.async_copy(x_hbm.at[pl.ds(base, B_PER_W)], idx_v, idx_sem)

    zv = jnp.zeros((L,), jnp.float32)
    ones = jnp.full((L,), 1.0, jnp.float32)
    lanes = lax.iota(jnp.int32, L)

    def chunk_indices(g):
        out = []
        for j in range(C // L):
            cols = idx_v[pl.ds(g * C + j * L, L)] & (DIM - 1)
            out.append((lanes + (j * L), cols))
        return out

    def fire(g, b):
        for rows, cols in chunk_indices(g):
            plsc.store_scatter(bufs[b], [rows, cols], ones)
        out_at = out_hbm.at[pl.ds(base + g * C, C)]
        pltpu.async_copy(bufs[b], out_at, sems[b])

    def zero_half(buf, r0):
        def zero_body(i, carry):
            r = r0 + (i >> 6)
            c = (i & (SEGS - 1)) * L
            buf[r, pl.ds(c, L)] = zv
            return carry
        lax.fori_loop(0, (C // 2) * SEGS, zero_body, 0, unroll=8)

    first = True
    for b in range(NBUF):
        for h in range(2):
            zero_half(bufs[b], h * (C // 2))
            if first:
                idx_cp.wait()
                first = False
            rows, cols = chunk_indices(b)[h]
            plsc.store_scatter(bufs[b], [rows, cols], ones)
            pltpu.async_copy(
                bufs[b].at[pl.ds(h * (C // 2), C // 2)],
                out_hbm.at[pl.ds(base + b * C + h * (C // 2), C // 2)],
                sems[b],
            )

    def ring_body(go, carry):
        for b in range(NBUF):
            g = go * NBUF + b
            buf = bufs[b]
            out_at = out_hbm.at[pl.ds(base + g * C, C)]
            pltpu.make_async_copy(buf, out_at, sems[b]).wait()
            for rows, cols in chunk_indices(g - NBUF):
                plsc.store_scatter(buf, [rows, cols], zv)
            fire(g, b)
        return carry
    lax.fori_loop(1, NCHUNK // NBUF, ring_body, 0)

    for b in range(NBUF):
        g = NCHUNK - NBUF + b
        out_at = out_hbm.at[pl.ds(base + g * C, C)]
        pltpu.make_async_copy(bufs[b], out_at, sems[b]).wait()


_sc_onehot = functools.partial(
    pl.kernel,
    out_type=jax.ShapeDtypeStruct((BATCH, DIM), jnp.float32),
    mesh=plsc.VectorSubcoreMesh(core_axis_name="c", subcore_axis_name="s"),
    scratch_types=[
        pltpu.VMEM((B_PER_W,), jnp.int32),
        *[pltpu.VMEM((C, DIM), jnp.float32) for _ in range(NBUF)],
        *[pltpu.SemaphoreType.DMA for _ in range(NBUF)],
        pltpu.SemaphoreType.DMA,
    ],
    compiler_params=pltpu.CompilerParams(needs_layout_passes=False),
)(_sc_onehot_body)


def kernel(x, table):
    del table
    return _sc_onehot(x.astype(jnp.int32))

# --- scband reference (transcript-rebuilt; emitter-appended) ---
"""Pipeline reference for scband-quantum-basis-encoding-91199335563806 (READ-ONLY COPY).

The authoritative reference and input builder live on the scoring server;
editing this copy changes nothing except your own understanding.
"""

import jax, jax.numpy as jnp
import numpy as np

N_QUBITS = 10
DIM = 2 ** N_QUBITS  # 1024
BATCH = 16384


def setup_inputs(seed: int = 0) -> dict:
    key = jax.random.key(seed)
    x = jax.random.randint(key, (BATCH,), 0, DIM)
    # The module (fallback path, no pennylane) builds torch.eye(2**n_qubits)
    # and indexes rows: a one-hot embedding lookup. Materialize the table.
    table = jnp.eye(DIM, dtype=jnp.float32)
    return {"x": x, "table": table}


def reference(x, table):
    # torch.eye(2**n)[x.long() % 2**n]  -> one-hot gather
    idx = jnp.mod(x.astype(jnp.int32), DIM)
    return jnp.take(table, idx, axis=0)

if __name__ == "__main__":
    import jax
    _d = setup_inputs()
    print(jax.jit(kernel)(*tuple(_d.values())))

</pallas_src>

<mosaic_0001>
#map = affine_map<(d0, d1) -> (0)>
#map1 = affine_map<(d0, d1) -> (0, 0)>
module attributes {stable_mosaic.version = 14 : i64} {
  func.func @_sc_onehot_body(%arg0: i32, %arg1: i32, %arg2: memref<16384xi32, #tpu.memory_space<hbm>>, %arg3: memref<16384x1024xf32, #tpu.memory_space<hbm>>, %arg4: memref<512xi32, #tpu.memory_space<vmem>>, %arg5: memref<32x1024xf32, #tpu.memory_space<vmem>>, %arg6: memref<32x1024xf32, #tpu.memory_space<vmem>>, %arg7: memref<!tpu.dma_semaphore, #tpu.memory_space<semaphore_mem>>, %arg8: memref<!tpu.dma_semaphore, #tpu.memory_space<semaphore_mem>>, %arg9: memref<!tpu.dma_semaphore, #tpu.memory_space<semaphore_mem>>) attributes {dimension_semantics = [#tpu.dimension_semantics<core_parallel>, #tpu.dimension_semantics<subcore_parallel>], iteration_bounds = array<i64: 2, 16>, scalar_prefetch = 0 : i64, scratch_operands = 6 : i64, tpu.core_type = #tpu.core_type<sc_vector_subcore>, window_params = [{transform_indices = #map}, {transform_indices = #map1}]} {
    %mul3A = arith.constant 2 : i32
    %mul3A_0 = arith.muli %arg1, %mul3A : i32
    %add3A = arith.addi %mul3A_0, %arg0 : i32
    %mul3A_1 = arith.constant 512 : i32
    %mul3A_2 = arith.muli %add3A, %mul3A_1 : i32
    %dma_start3A = tpu.memref_slice %arg2[%mul3A_2] : memref<16384xi32, #tpu.memory_space<hbm>> -> memref<512xi32, #tpu.memory_space<hbm>>
    %dma_start3A_3 = tpu.memref_slice %arg2[%mul3A_2] : memref<16384xi32, #tpu.memory_space<hbm>> -> memref<512xi32, #tpu.memory_space<hbm>>
    tpu.enqueue_dma source(%dma_start3A_3 : memref<512xi32, #tpu.memory_space<hbm>>) target(%arg4 : memref<512xi32, #tpu.memory_space<vmem>>) target_semaphore(%arg9 : memref<!tpu.dma_semaphore, #tpu.memory_space<semaphore_mem>>)
    %broadcast_in_dim3A = arith.constant 0.000000e+00 : f32
    %broadcast_in_dim3A_4 = vector.broadcast %broadcast_in_dim3A : f32 to vector<16xf32>
    %broadcast_in_dim3A_5 = arith.constant 1.000000e+00 : f32
    %broadcast_in_dim3A_6 = vector.broadcast %broadcast_in_dim3A_5 : f32 to vector<16xf32>
    %iota3A = tpu.iota {dimensions = array<i32: 0>} : vector<16xi32>
    %scan3A = arith.constant 0 : i32
    %scan3A_7 = arith.constant 0 : i32
    %scan3A_8 = arith.constant 1024 : i32
    %scan3A_9 = arith.addi %scan3A_7, %scan3A_8 : i32
    %scan3A_10 = arith.constant 8 : i32
    scf.for %scan3A_167 = %scan3A_7 to %scan3A_9 step %scan3A_10  : i32 {
      %shift_right_arithmetic3A = arith.constant 6 : i32
      %shift_right_arithmetic3A_168 = arith.shrsi %scan3A_167, %shift_right_arithmetic3A : i32
      %add3A_169 = arith.constant 0 : i32
      %add3A_170 = arith.addi %add3A_169, %shift_right_arithmetic3A_168 : i32
      %and3A_171 = arith.constant 63 : i32
      %and3A_172 = arith.andi %scan3A_167, %and3A_171 : i32
      %mul3A_173 = arith.constant 16 : i32
      %mul3A_174 = arith.muli %and3A_172, %mul3A_173 : i32
      %swap3A = arith.index_cast %add3A_170 : i32 to index
      %swap3A_175 = arith.index_cast %mul3A_174 : i32 to index
      %swap3A_176 = tpu.vector_load %arg5[%swap3A, %swap3A_175] {strides = array<i32>} : memref<32x1024xf32, #tpu.memory_space<vmem>>, vector<16xf32>,
      tpu.vector_store %arg5[%swap3A, %swap3A_175], %broadcast_in_dim3A_4 {strides = array<i32>} : memref<32x1024xf32, #tpu.memory_space<vmem>>, vector<16xf32>,
      %scan3A_177 = arith.constant 1 : i32
      %scan3A_178 = arith.addi %scan3A_167, %scan3A_177 : i32
      %shift_right_arithmetic3A_179 = arith.constant 6 : i32
      %shift_right_arithmetic3A_180 = arith.shrsi %scan3A_178, %shift_right_arithmetic3A_179 : i32
      %add3A_181 = arith.constant 0 : i32
      %add3A_182 = arith.addi %add3A_181, %shift_right_arithmetic3A_180 : i32
      %and3A_183 = arith.constant 63 : i32
      %and3A_184 = arith.andi %scan3A_178, %and3A_183 : i32
      %mul3A_185 = arith.constant 16 : i32
      %mul3A_186 = arith.muli %and3A_184, %mul3A_185 : i32
      %swap3A_187 = arith.index_cast %add3A_182 : i32 to index
      %swap3A_188 = arith.index_cast %mul3A_186 : i32 to index
      %swap3A_189 = tpu.vector_load %arg5[%swap3A_187, %swap3A_188] {strides = array<i32>} : memref<32x1024xf32, #tpu.memory_space<vmem>>, vector<16xf32>,
      tpu.vector_store %arg5[%swap3A_187, %swap3A_188], %broadcast_in_dim3A_4 {strides = array<i32>} : memref<32x1024xf32, #tpu.memory_space<vmem>>, vector<16xf32>,
      %scan3A_190 = arith.constant 2 : i32
      %scan3A_191 = arith.addi %scan3A_167, %scan3A_190 : i32
      %shift_right_arithmetic3A_192 = arith.constant 6 : i32
      %shift_right_arithmetic3A_193 = arith.shrsi %scan3A_191, %shift_right_arithmetic3A_192 : i32
      %add3A_194 = arith.constant 0 : i32
      %add3A_195 = arith.addi %add3A_194, %shift_right_arithmetic3A_193 : i32
      %and3A_196 = arith.constant 63 : i32
      %and3A_197 = arith.andi %scan3A_191, %and3A_196 : i32
      %mul3A_198 = arith.constant 16 : i32
      %mul3A_199 = arith.muli %and3A_197, %mul3A_198 : i32
      %swap3A_200 = arith.index_cast %add3A_195 : i32 to index
      %swap3A_201 = arith.index_cast %mul3A_199 : i32 to index
      %swap3A_202 = tpu.vector_load %arg5[%swap3A_200, %swap3A_201] {strides = array<i32>} : memref<32x1024xf32, #tpu.memory_space<vmem>>, vector<16xf32>,
      tpu.vector_store %arg5[%swap3A_200, %swap3A_201], %broadcast_in_dim3A_4 {strides = array<i32>} : memref<32x1024xf32, #tpu.memory_space<vmem>>, vector<16xf32>,
      %scan3A_203 = arith.constant 3 : i32
      %scan3A_204 = arith.addi %scan3A_167, %scan3A_203 : i32
      %shift_right_arithmetic3A_205 = arith.constant 6 : i32
      %shift_right_arithmetic3A_206 = arith.shrsi %scan3A_204, %shift_right_arithmetic3A_205 : i32
      %add3A_207 = arith.constant 0 : i32
      %add3A_208 = arith.addi %add3A_207, %shift_right_arithmetic3A_206 : i32
      %and3A_209 = arith.constant 63 : i32
      %and3A_210 = arith.andi %scan3A_204, %and3A_209 : i32
      %mul3A_211 = arith.constant 16 : i32
      %mul3A_212 = arith.muli %and3A_210, %mul3A_211 : i32
      %swap3A_213 = arith.index_cast %add3A_208 : i32 to index
      %swap3A_214 = arith.index_cast %mul3A_212 : i32 to index
      %swap3A_215 = tpu.vector_load %arg5[%swap3A_213, %swap3A_214] {strides = array<i32>} : memref<32x1024xf32, #tpu.memory_space<vmem>>, vector<16xf32>,
      tpu.vector_store %arg5[%swap3A_213, %swap3A_214], %broadcast_in_dim3A_4 {strides = array<i32>} : memref<32x1024xf32, #tpu.memory_space<vmem>>, vector<16xf32>,
      %scan3A_216 = arith.constant 4 : i32
      %scan3A_217 = arith.addi %scan3A_167, %scan3A_216 : i32
      %shift_right_arithmetic3A_218 = arith.constant 6 : i32
      %shift_right_arithmetic3A_219 = arith.shrsi %scan3A_217, %shift_right_arithmetic3A_218 : i32
      %add3A_220 = arith.constant 0 : i32
      %add3A_221 = arith.addi %add3A_220, %shift_right_arithmetic3A_219 : i32
      %and3A_222 = arith.constant 63 : i32
      %and3A_223 = arith.andi %scan3A_217, %and3A_222 : i32
      %mul3A_224 = arith.constant 16 : i32
      %mul3A_225 = arith.muli %and3A_223, %mul3A_224 : i32
      %swap3A_226 = arith.index_cast %add3A_221 : i32 to index
      %swap3A_227 = arith.index_cast %mul3A_225 : i32 to index
      %swap3A_228 = tpu.vector_load %arg5[%swap3A_226, %swap3A_227] {strides = array<i32>} : memref<32x1024xf32, #tpu.memory_space<vmem>>, vector<16xf32>,
      tpu.vector_store %arg5[%swap3A_226, %swap3A_227], %broadcast_in_dim3A_4 {strides = array<i32>} : memref<32x1024xf32, #tpu.memory_space<vmem>>, vector<16xf32>,
      %scan3A_229 = arith.constant 5 : i32
      %scan3A_230 = arith.addi %scan3A_167, %scan3A_229 : i32
      %shift_right_arithmetic3A_231 = arith.constant 6 : i32
      %shift_right_arithmetic3A_232 = arith.shrsi %scan3A_230, %shift_right_arithmetic3A_231 : i32
      %add3A_233 = arith.constant 0 : i32
      %add3A_234 = arith.addi %add3A_233, %shift_right_arithmetic3A_232 : i32
      %and3A_235 = arith.constant 63 : i32
      %and3A_236 = arith.andi %scan3A_230, %and3A_235 : i32
      %mul3A_237 = arith.constant 16 : i32
      %mul3A_238 = arith.muli %and3A_236, %mul3A_237 : i32
      %swap3A_239 = arith.index_cast %add3A_234 : i32 to index
      %swap3A_240 = arith.index_cast %mul3A_238 : i32 to index
      %swap3A_241 = tpu.vector_load %arg5[%swap3A_239, %swap3A_240] {strides = array<i32>} : memref<32x1024xf32, #tpu.memory_space<vmem>>, vector<16xf32>,
      tpu.vector_store %arg5[%swap3A_239, %swap3A_240], %broadcast_in_dim3A_4 {strides = array<i32>} : memref<32x1024xf32, #tpu.memory_space<vmem>>, vector<16xf32>,
      %scan3A_242 = arith.constant 6 : i32
      %scan3A_243 = arith.addi %scan3A_167, %scan3A_242 : i32
      %shift_right_arithmetic3A_244 = arith.constant 6 : i32
      %shift_right_arithmetic3A_245 = arith.shrsi %scan3A_243, %shift_right_arithmetic3A_244 : i32
      %add3A_246 = arith.constant 0 : i32
      %add3A_247 = arith.addi %add3A_246, %shift_right_arithmetic3A_245 : i32
      %and3A_248 = arith.constant 63 : i32
      %and3A_249 = arith.andi %scan3A_243, %and3A_248 : i32
      %mul3A_250 = arith.constant 16 : i32
      %mul3A_251 = arith.muli %and3A_249, %mul3A_250 : i32
      %swap3A_252 = arith.index_cast %add3A_247 : i32 to index
      %swap3A_253 = arith.index_cast %mul3A_251 : i32 to index
      %swap3A_254 = tpu.vector_load %arg5[%swap3A_252, %swap3A_253] {strides = array<i32>} : memref<32x1024xf32, #tpu.memory_space<vmem>>, vector<16xf32>,
      tpu.vector_store %arg5[%swap3A_252, %swap3A_253], %broadcast_in_dim3A_4 {strides = array<i32>} : memref<32x1024xf32, #tpu.memory_space<vmem>>, vector<16xf32>,
      %scan3A_255 = arith.constant 7 : i32
      %scan3A_256 = arith.addi %scan3A_167, %scan3A_255 : i32
      %shift_right_arithmetic3A_257 = arith.constant 6 : i32
      %shift_right_arithmetic3A_258 = arith.shrsi %scan3A_256, %shift_right_arithmetic3A_257 : i32
      %add3A_259 = arith.constant 0 : i32
      %add3A_260 = arith.addi %add3A_259, %shift_right_arithmetic3A_258 : i32
      %and3A_261 = arith.constant 63 : i32
      %and3A_262 = arith.andi %scan3A_256, %and3A_261 : i32
      %mul3A_263 = arith.constant 16 : i32
      %mul3A_264 = arith.muli %and3A_262, %mul3A_263 : i32
      %swap3A_265 = arith.index_cast %add3A_260 : i32 to index
      %swap3A_266 = arith.index_cast %mul3A_264 : i32 to index
      %swap3A_267 = tpu.vector_load %arg5[%swap3A_265, %swap3A_266] {strides = array<i32>} : memref<32x1024xf32, #tpu.memory_space<vmem>>, vector<16xf32>,
      tpu.vector_store %arg5[%swap3A_265, %swap3A_266], %broadcast_in_dim3A_4 {strides = array<i32>} : memref<32x1024xf32, #tpu.memory_space<vmem>>, vector<16xf32>,
    }
    %scan3A_11 = arith.constant 1024 : i32
    %dma_wait3A = tpu.memref_slice %arg2[%mul3A_2] : memref<16384xi32, #tpu.memory_space<hbm>> -> memref<512xi32, #tpu.memory_space<hbm>>
    %dma_wait3A_12 = tpu.memref_slice %arg2[%mul3A_2] : memref<16384xi32, #tpu.memory_space<hbm>> -> memref<512xi32, #tpu.memory_space<hbm>>
    tpu.wait_dma2 semaphore(%arg9 : memref<!tpu.dma_semaphore, #tpu.memory_space<semaphore_mem>>) src(%dma_wait3A_12 : memref<512xi32, #tpu.memory_space<hbm>>) dst(%arg4 : memref<512xi32, #tpu.memory_space<vmem>>)
    %get3A = arith.constant 0 : index
    %get3A_13 = tpu.vector_load %arg4[%get3A] {strides = array<i32>} : memref<512xi32, #tpu.memory_space<vmem>>, vector<16xi32>,
    %and3A = arith.constant 1023 : i32
    %and3A_14 = vector.broadcast %and3A : i32 to vector<16xi32>
    %and3A_15 = arith.andi %get3A_13, %and3A_14 : vector<16xi32>
    %add3A_16 = arith.constant 0 : i32
    %add3A_17 = vector.broadcast %add3A_16 : i32 to vector<16xi32>
    %add3A_18 = arith.addi %iota3A, %add3A_17 : vector<16xi32>
    %get3A_19 = arith.constant 16 : index
    %get3A_20 = tpu.vector_load %arg4[%get3A_19] {strides = array<i32>} : memref<512xi32, #tpu.memory_space<vmem>>, vector<16xi32>,
    %and3A_21 = arith.constant 1023 : i32
    %and3A_22 = vector.broadcast %and3A_21 : i32 to vector<16xi32>
    %and3A_23 = arith.andi %get3A_20, %and3A_22 : vector<16xi32>
    %add3A_24 = arith.constant 16 : i32
    %add3A_25 = vector.broadcast %add3A_24 : i32 to vector<16xi32>
    %add3A_26 = arith.addi %iota3A, %add3A_25 : vector<16xi32>
    tpu.vector_store_idx %arg5[%add3A_18, %and3A_15], %broadcast_in_dim3A_6 : memref<32x1024xf32, #tpu.memory_space<vmem>>[vector<16xi32>, vector<16xi32>], vector<16xf32>,
    %add3A_27 = arith.constant 0 : i32
    %add3A_28 = arith.addi %mul3A_2, %add3A_27 : i32
    %add3A_29 = arith.constant 0 : i32
    %add3A_30 = arith.addi %add3A_28, %add3A_29 : i32
    %dma_start3A_31 = arith.constant 0 : i32
    %dma_start3A_32 = arith.constant 0 : i32
    %dma_start3A_33 = tpu.memref_slice %arg5[%dma_start3A_31, %dma_start3A_32] : memref<32x1024xf32, #tpu.memory_space<vmem>> -> memref<16x1024xf32, #tpu.memory_space<vmem>>
    %dma_start3A_34 = arith.constant 0 : i32
    %dma_start3A_35 = tpu.memref_slice %arg3[%add3A_30, %dma_start3A_34] : memref<16384x1024xf32, #tpu.memory_space<hbm>> -> memref<16x1024xf32, #tpu.memory_space<hbm>>
    %dma_start3A_36 = arith.constant 0 : i32
    %dma_start3A_37 = tpu.memref_slice %arg3[%add3A_30, %dma_start3A_36] : memref<16384x1024xf32, #tpu.memory_space<hbm>> -> memref<16x1024xf32, #tpu.memory_space<hbm>>
    %dma_start3A_38 = arith.constant 0 : i32
    %dma_start3A_39 = arith.constant 0 : i32
    %dma_start3A_40 = tpu.memref_slice %arg5[%dma_start3A_38, %dma_start3A_39] : memref<32x1024xf32, #tpu.memory_space<vmem>> -> memref<16x1024xf32, #tpu.memory_space<vmem>>
    tpu.enqueue_dma source(%dma_start3A_40 : memref<16x1024xf32, #tpu.memory_space<vmem>>) target(%dma_start3A_37 : memref<16x1024xf32, #tpu.memory_space<hbm>>) target_semaphore(%arg7 : memref<!tpu.dma_semaphore, #tpu.memory_space<semaphore_mem>>)
    %scan3A_41 = arith.constant 0 : i32
    %scan3A_42 = arith.constant 0 : i32
    %scan3A_43 = arith.constant 1024 : i32
    %scan3A_44 = arith.addi %scan3A_42, %scan3A_43 : i32
    %scan3A_45 = arith.constant 8 : i32
    scf.for %scan3A_167 = %scan3A_42 to %scan3A_44 step %scan3A_45  : i32 {
      %shift_right_arithmetic3A = arith.constant 6 : i32
      %shift_right_arithmetic3A_168 = arith.shrsi %scan3A_167, %shift_right_arithmetic3A : i32
      %add3A_169 = arith.constant 16 : i32
      %add3A_170 = arith.addi %add3A_169, %shift_right_arithmetic3A_168 : i32
      %and3A_171 = arith.constant 63 : i32
      %and3A_172 = arith.andi %scan3A_167, %and3A_171 : i32
      %mul3A_173 = arith.constant 16 : i32
      %mul3A_174 = arith.muli %and3A_172, %mul3A_173 : i32
      %swap3A = arith.index_cast %add3A_170 : i32 to index
      %swap3A_175 = arith.index_cast %mul3A_174 : i32 to index
      %swap3A_176 = tpu.vector_load %arg5[%swap3A, %swap3A_175] {strides = array<i32>} : memref<32x1024xf32, #tpu.memory_space<vmem>>, vector<16xf32>,
      tpu.vector_store %arg5[%swap3A, %swap3A_175], %broadcast_in_dim3A_4 {strides = array<i32>} : memref<32x1024xf32, #tpu.memory_space<vmem>>, vector<16xf32>,
      %scan3A_177 = arith.constant 1 : i32
      %scan3A_178 = arith.addi %scan3A_167, %scan3A_177 : i32
      %shift_right_arithmetic3A_179 = arith.constant 6 : i32
      %shift_right_arithmetic3A_180 = arith.shrsi %scan3A_178, %shift_right_arithmetic3A_179 : i32
      %add3A_181 = arith.constant 16 : i32
      %add3A_182 = arith.addi %add3A_181, %shift_right_arithmetic3A_180 : i32
      %and3A_183 = arith.constant 63 : i32
      %and3A_184 = arith.andi %scan3A_178, %and3A_183 : i32
      %mul3A_185 = arith.constant 16 : i32
      %mul3A_186 = arith.muli %and3A_184, %mul3A_185 : i32
      %swap3A_187 = arith.index_cast %add3A_182 : i32 to index
      %swap3A_188 = arith.index_cast %mul3A_186 : i32 to index
      %swap3A_189 = tpu.vector_load %arg5[%swap3A_187, %swap3A_188] {strides = array<i32>} : memref<32x1024xf32, #tpu.memory_space<vmem>>, vector<16xf32>,
      tpu.vector_store %arg5[%swap3A_187, %swap3A_188], %broadcast_in_dim3A_4 {strides = array<i32>} : memref<32x1024xf32, #tpu.memory_space<vmem>>, vector<16xf32>,
      %scan3A_190 = arith.constant 2 : i32
      %scan3A_191 = arith.addi %scan3A_167, %scan3A_190 : i32
      %shift_right_arithmetic3A_192 = arith.constant 6 : i32
      %shift_right_arithmetic3A_193 = arith.shrsi %scan3A_191, %shift_right_arithmetic3A_192 : i32
      %add3A_194 = arith.constant 16 : i32
      %add3A_195 = arith.addi %add3A_194, %shift_right_arithmetic3A_193 : i32
      %and3A_196 = arith.constant 63 : i32
      %and3A_197 = arith.andi %scan3A_191, %and3A_196 : i32
      %mul3A_198 = arith.constant 16 : i32
      %mul3A_199 = arith.muli %and3A_197, %mul3A_198 : i32
      %swap3A_200 = arith.index_cast %add3A_195 : i32 to index
      %swap3A_201 = arith.index_cast %mul3A_199 : i32 to index
      %swap3A_202 = tpu.vector_load %arg5[%swap3A_200, %swap3A_201] {strides = array<i32>} : memref<32x1024xf32, #tpu.memory_space<vmem>>, vector<16xf32>,
      tpu.vector_store %arg5[%swap3A_200, %swap3A_201], %broadcast_in_dim3A_4 {strides = array<i32>} : memref<32x1024xf32, #tpu.memory_space<vmem>>, vector<16xf32>,
      %scan3A_203 = arith.constant 3 : i32
      %scan3A_204 = arith.addi %scan3A_167, %scan3A_203 : i32
      %shift_right_arithmetic3A_205 = arith.constant 6 : i32
      %shift_right_arithmetic3A_206 = arith.shrsi %scan3A_204, %shift_right_arithmetic3A_205 : i32
      %add3A_207 = arith.constant 16 : i32
      %add3A_208 = arith.addi %add3A_207, %shift_right_arithmetic3A_206 : i32
      %and3A_209 = arith.constant 63 : i32
      %and3A_210 = arith.andi %scan3A_204, %and3A_209 : i32
      %mul3A_211 = arith.constant 16 : i32
      %mul3A_212 = arith.muli %and3A_210, %mul3A_211 : i32
      %swap3A_213 = arith.index_cast %add3A_208 : i32 to index
      %swap3A_214 = arith.index_cast %mul3A_212 : i32 to index
      %swap3A_215 = tpu.vector_load %arg5[%swap3A_213, %swap3A_214] {strides = array<i32>} : memref<32x1024xf32, #tpu.memory_space<vmem>>, vector<16xf32>,
      tpu.vector_store %arg5[%swap3A_213, %swap3A_214], %broadcast_in_dim3A_4 {strides = array<i32>} : memref<32x1024xf32, #tpu.memory_space<vmem>>, vector<16xf32>,
      %scan3A_216 = arith.constant 4 : i32
      %scan3A_217 = arith.addi %scan3A_167, %scan3A_216 : i32
      %shift_right_arithmetic3A_218 = arith.constant 6 : i32
      %shift_right_arithmetic3A_219 = arith.shrsi %scan3A_217, %shift_right_arithmetic3A_218 : i32
      %add3A_220 = arith.constant 16 : i32
      %add3A_221 = arith.addi %add3A_220, %shift_right_arithmetic3A_219 : i32
      %and3A_222 = arith.constant 63 : i32
      %and3A_223 = arith.andi %scan3A_217, %and3A_222 : i32
      %mul3A_224 = arith.constant 16 : i32
      %mul3A_225 = arith.muli %and3A_223, %mul3A_224 : i32
      %swap3A_226 = arith.index_cast %add3A_221 : i32 to index
      %swap3A_227 = arith.index_cast %mul3A_225 : i32 to index
      %swap3A_228 = tpu.vector_load %arg5[%swap3A_226, %swap3A_227] {strides = array<i32>} : memref<32x1024xf32, #tpu.memory_space<vmem>>, vector<16xf32>,
      tpu.vector_store %arg5[%swap3A_226, %swap3A_227], %broadcast_in_dim3A_4 {strides = array<i32>} : memref<32x1024xf32, #tpu.memory_space<vmem>>, vector<16xf32>,
      %scan3A_229 = arith.constant 5 : i32
      %scan3A_230 = arith.addi %scan3A_167, %scan3A_229 : i32
      %shift_right_arithmetic3A_231 = arith.constant 6 : i32
      %shift_right_arithmetic3A_232 = arith.shrsi %scan3A_230, %shift_right_arithmetic3A_231 : i32
      %add3A_233 = arith.constant 16 : i32
      %add3A_234 = arith.addi %add3A_233, %shift_right_arithmetic3A_232 : i32
      %and3A_235 = arith.constant 63 : i32
      %and3A_236 = arith.andi %scan3A_230, %and3A_235 : i32
      %mul3A_237 = arith.constant 16 : i32
      %mul3A_238 = arith.muli %and3A_236, %mul3A_237 : i32
      %swap3A_239 = arith.index_cast %add3A_234 : i32 to index
      %swap3A_240 = arith.index_cast %mul3A_238 : i32 to index
      %swap3A_241 = tpu.vector_load %arg5[%swap3A_239, %swap3A_240] {strides = array<i32>} : memref<32x1024xf32, #tpu.memory_space<vmem>>, vector<16xf32>,
      tpu.vector_store %arg5[%swap3A_239, %swap3A_240], %broadcast_in_dim3A_4 {strides = array<i32>} : memref<32x1024xf32, #tpu.memory_space<vmem>>, vector<16xf32>,
      %scan3A_242 = arith.constant 6 : i32
      %scan3A_243 = arith.addi %scan3A_167, %scan3A_242 : i32
      %shift_right_arithmetic3A_244 = arith.constant 6 : i32
      %shift_right_arithmetic3A_245 = arith.shrsi %scan3A_243, %shift_right_arithmetic3A_244 : i32
      %add3A_246 = arith.constant 16 : i32
      %add3A_247 = arith.addi %add3A_246, %shift_right_arithmetic3A_245 : i32
      %and3A_248 = arith.constant 63 : i32
      %and3A_249 = arith.andi %scan3A_243, %and3A_248 : i32
      %mul3A_250 = arith.constant 16 : i32
      %mul3A_251 = arith.muli %and3A_249, %mul3A_250 : i32
      %swap3A_252 = arith.index_cast %add3A_247 : i32 to index
      %swap3A_253 = arith.index_cast %mul3A_251 : i32 to index
      %swap3A_254 = tpu.vector_load %arg5[%swap3A_252, %swap3A_253] {strides = array<i32>} : memref<32x1024xf32, #tpu.memory_space<vmem>>, vector<16xf32>,
      tpu.vector_store %arg5[%swap3A_252, %swap3A_253], %broadcast_in_dim3A_4 {strides = array<i32>} : memref<32x1024xf32, #tpu.memory_space<vmem>>, vector<16xf32>,
      %scan3A_255 = arith.constant 7 : i32
      %scan3A_256 = arith.addi %scan3A_167, %scan3A_255 : i32
      %shift_right_arithmetic3A_257 = arith.constant 6 : i32
      %shift_right_arithmetic3A_258 = arith.shrsi %scan3A_256, %shift_right_arithmetic3A_257 : i32
      %add3A_259 = arith.constant 16 : i32
      %add3A_260 = arith.addi %add3A_259, %shift_right_arithmetic3A_258 : i32
      %and3A_261 = arith.constant 63 : i32
      %and3A_262 = arith.andi %scan3A_256, %and3A_261 : i32
      %mul3A_263 = arith.constant 16 : i32
      %mul3A_264 = arith.muli %and3A_262, %mul3A_263 : i32
      %swap3A_265 = arith.index_cast %add3A_260 : i32 to index
      %swap3A_266 = arith.index_cast %mul3A_264 : i32 to index
      %swap3A_267 = tpu.vector_load %arg5[%swap3A_265, %swap3A_266] {strides = array<i32>} : memref<32x1024xf32, #tpu.memory_space<vmem>>, vector<16xf32>,
      tpu.vector_store %arg5[%swap3A_265, %swap3A_266], %broadcast_in_dim3A_4 {strides = array<i32>} : memref<32x1024xf32, #tpu.memory_space<vmem>>, vector<16xf32>,
    }
    %scan3A_46 = arith.constant 1024 : i32
    %get3A_47 = arith.constant 0 : index
    %get3A_48 = tpu.vector_load %arg4[%get3A_47] {strides = array<i32>} : memref<512xi32, #tpu.memory_space<vmem>>, vector<16xi32>,
    %and3A_49 = arith.constant 1023 : i32
    %and3A_50 = vector.broadcast %and3A_49 : i32 to vector<16xi32>
    %and3A_51 = arith.andi %get3A_48, %and3A_50 : vector<16xi32>
    %add3A_52 = arith.constant 0 : i32
    %add3A_53 = vector.broadcast %add3A_52 : i32 to vector<16xi32>
    %add3A_54 = arith.addi %iota3A, %add3A_53 : vector<16xi32>
    %get3A_55 = arith.constant 16 : index
    %get3A_56 = tpu.vector_load %arg4[%get3A_55] {strides = array<i32>} : memref<512xi32, #tpu.memory_space<vmem>>, vector<16xi32>,
    %and3A_57 = arith.constant 1023 : i32
    %and3A_58 = vector.broadcast %and3A_57 : i32 to vector<16xi32>
    %and3A_59 = arith.andi %get3A_56, %and3A_58 : vector<16xi32>
    %add3A_60 = arith.constant 16 : i32
    %add3A_61 = vector.broadcast %add3A_60 : i32 to vector<16xi32>
    %add3A_62 = arith.addi %iota3A, %add3A_61 : vector<16xi32>
    tpu.vector_store_idx %arg5[%add3A_62, %and3A_59], %broadcast_in_dim3A_6 : memref<32x1024xf32, #tpu.memory_space<vmem>>[vector<16xi32>, vector<16xi32>], vector<16xf32>,
    %add3A_63 = arith.constant 0 : i32
    %add3A_64 = arith.addi %mul3A_2, %add3A_63 : i32
    %add3A_65 = arith.constant 16 : i32
    %add3A_66 = arith.addi %add3A_64, %add3A_65 : i32
    %dma_start3A_67 = arith.constant 16 : i32
    %dma_start3A_68 = arith.constant 0 : i32
    %dma_start3A_69 = tpu.memref_slice %arg5[%dma_start3A_67, %dma_start3A_68] : memref<32x1024xf32, #tpu.memory_space<vmem>> -> memref<16x1024xf32, #tpu.memory_space<vmem>>
    %dma_start3A_70 = arith.constant 0 : i32
    %dma_start3A_71 = tpu.memref_slice %arg3[%add3A_66, %dma_start3A_70] : memref<16384x1024xf32, #tpu.memory_space<hbm>> -> memref<16x1024xf32, #tpu.memory_space<hbm>>
    %dma_start3A_72 = arith.constant 0 : i32
    %dma_start3A_73 = tpu.memref_slice %arg3[%add3A_66, %dma_start3A_72] : memref<16384x1024xf32, #tpu.memory_space<hbm>> -> memref<16x1024xf32, #tpu.memory_space<hbm>>
    %dma_start3A_74 = arith.constant 16 : i32
    %dma_start3A_75 = arith.constant 0 : i32
    %dma_start3A_76 = tpu.memref_slice %arg5[%dma_start3A_74, %dma_start3A_75] : memref<32x1024xf32, #tpu.memory_space<vmem>> -> memref<16x1024xf32, #tpu.memory_space<vmem>>
    tpu.enqueue_dma source(%dma_start3A_76 : memref<16x1024xf32, #tpu.memory_space<vmem>>) target(%dma_start3A_73 : memref<16x1024xf32, #tpu.memory_space<hbm>>) target_semaphore(%arg7 : memref<!tpu.dma_semaphore, #tpu.memory_space<semaphore_mem>>)
    %scan3A_77 = arith.constant 0 : i32
    %scan3A_78 = arith.constant 0 : i32
    %scan3A_79 = arith.constant 1024 : i32
    %scan3A_80 = arith.addi %scan3A_78, %scan3A_79 : i32
    %scan3A_81 = arith.constant 8 : i32
    scf.for %scan3A_167 = %scan3A_78 to %scan3A_80 step %scan3A_81  : i32 {
      %shift_right_arithmetic3A = arith.constant 6 : i32
      %shift_right_arithmetic3A_168 = arith.shrsi %scan3A_167, %shift_right_arithmetic3A : i32
      %add3A_169 = arith.constant 0 : i32
      %add3A_170 = arith.addi %add3A_169, %shift_right_arithmetic3A_168 : i32
      %and3A_171 = arith.constant 63 : i32
      %and3A_172 = arith.andi %scan3A_167, %and3A_171 : i32
      %mul3A_173 = arith.constant 16 : i32
      %mul3A_174 = arith.muli %and3A_172, %mul3A_173 : i32
      %swap3A = arith.index_cast %add3A_170 : i32 to index
      %swap3A_175 = arith.index_cast %mul3A_174 : i32 to index
      %swap3A_176 = tpu.vector_load %arg6[%swap3A, %swap3A_175] {strides = array<i32>} : memref<32x1024xf32, #tpu.memory_space<vmem>>, vector<16xf32>,
      tpu.vector_store %arg6[%swap3A, %swap3A_175], %broadcast_in_dim3A_4 {strides = array<i32>} : memref<32x1024xf32, #tpu.memory_space<vmem>>, vector<16xf32>,
      %scan3A_177 = arith.constant 1 : i32
      %scan3A_178 = arith.addi %scan3A_167, %scan3A_177 : i32
      %shift_right_arithmetic3A_179 = arith.constant 6 : i32
      %shift_right_arithmetic3A_180 = arith.shrsi %scan3A_178, %shift_right_arithmetic3A_179 : i32
      %add3A_181 = arith.constant 0 : i32
      %add3A_182 = arith.addi %add3A_181, %shift_right_arithmetic3A_180 : i32
      %and3A_183 = arith.constant 63 : i32
      %and3A_184 = arith.andi %scan3A_178, %and3A_183 : i32
      %mul3A_185 = arith.constant 16 : i32
      %mul3A_186 = arith.muli %and3A_184, %mul3A_185 : i32
      %swap3A_187 = arith.index_cast %add3A_182 : i32 to index
      %swap3A_188 = arith.index_cast %mul3A_186 : i32 to index
      %swap3A_189 = tpu.vector_load %arg6[%swap3A_187, %swap3A_188] {strides = array<i32>} : memref<32x1024xf32, #tpu.memory_space<vmem>>, vector<16xf32>,
      tpu.vector_store %arg6[%swap3A_187, %swap3A_188], %broadcast_in_dim3A_4 {strides = array<i32>} : memref<32x1024xf32, #tpu.memory_space<vmem>>, vector<16xf32>,
      %scan3A_190 = arith.constant 2 : i32
      %scan3A_191 = arith.addi %scan3A_167, %scan3A_190 : i32
      %shift_right_arithmetic3A_192 = arith.constant 6 : i32
      %shift_right_arithmetic3A_193 = arith.shrsi %scan3A_191, %shift_right_arithmetic3A_192 : i32
      %add3A_194 = arith.constant 0 : i32
      %add3A_195 = arith.addi %add3A_194, %shift_right_arithmetic3A_193 : i32
      %and3A_196 = arith.constant 63 : i32
      %and3A_197 = arith.andi %scan3A_191, %and3A_196 : i32
      %mul3A_198 = arith.constant 16 : i32
      %mul3A_199 = arith.muli %and3A_197, %mul3A_198 : i32
      %swap3A_200 = arith.index_cast %add3A_195 : i32 to index
      %swap3A_201 = arith.index_cast %mul3A_199 : i32 to index
      %swap3A_202 = tpu.vector_load %arg6[%swap3A_200, %swap3A_201] {strides = array<i32>} : memref<32x1024xf32, #tpu.memory_space<vmem>>, vector<16xf32>,
      tpu.vector_store %arg6[%swap3A_200, %swap3A_201], %broadcast_in_dim3A_4 {strides = array<i32>} : memref<32x1024xf32, #tpu.memory_space<vmem>>, vector<16xf32>,
      %scan3A_203 = arith.constant 3 : i32
      %scan3A_204 = arith.addi %scan3A_167, %scan3A_203 : i32
      %shift_right_arithmetic3A_205 = arith.constant 6 : i32
      %shift_right_arithmetic3A_206 = arith.shrsi %scan3A_204, %shift_right_arithmetic3A_205 : i32
      %add3A_207 = arith.constant 0 : i32
      %add3A_208 = arith.addi %add3A_207, %shift_right_arithmetic3A_206 : i32
      %and3A_209 = arith.constant 63 : i32
      %and3A_210 = arith.andi %scan3A_204, %and3A_209 : i32
      %mul3A_211 = arith.constant 16 : i32
      %mul3A_212 = arith.muli %and3A_210, %mul3A_211 : i32
      %swap3A_213 = arith.index_cast %add3A_208 : i32 to index
      %swap3A_214 = arith.index_cast %mul3A_212 : i32 to index
      %swap3A_215 = tpu.vector_load %arg6[%swap3A_213, %swap3A_214] {strides = array<i32>} : memref<32x1024xf32, #tpu.memory_space<vmem>>, vector<16xf32>,
      tpu.vector_store %arg6[%swap3A_213, %swap3A_214], %broadcast_in_dim3A_4 {strides = array<i32>} : memref<32x1024xf32, #tpu.memory_space<vmem>>, vector<16xf32>,
      %scan3A_216 = arith.constant 4 : i32
      %scan3A_217 = arith.addi %scan3A_167, %scan3A_216 : i32
      %shift_right_arithmetic3A_218 = arith.constant 6 : i32
      %shift_right_arithmetic3A_219 = arith.shrsi %scan3A_217, %shift_right_arithmetic3A_218 : i32
      %add3A_220 = arith.constant 0 : i32
      %add3A_221 = arith.addi %add3A_220, %shift_right_arithmetic3A_219 : i32
      %and3A_222 = arith.constant 63 : i32
      %and3A_223 = arith.andi %scan3A_217, %and3A_222 : i32
      %mul3A_224 = arith.constant 16 : i32
      %mul3A_225 = arith.muli %and3A_223, %mul3A_224 : i32
      %swap3A_226 = arith.index_cast %add3A_221 : i32 to index
      %swap3A_227 = arith.index_cast %mul3A_225 : i32 to index
      %swap3A_228 = tpu.vector_load %arg6[%swap3A_226, %swap3A_227] {strides = array<i32>} : memref<32x1024xf32, #tpu.memory_space<vmem>>, vector<16xf32>,
      tpu.vector_store %arg6[%swap3A_226, %swap3A_227], %broadcast_in_dim3A_4 {strides = array<i32>} : memref<32x1024xf32, #tpu.memory_space<vmem>>, vector<16xf32>,
      %scan3A_229 = arith.constant 5 : i32
      %scan3A_230 = arith.addi %scan3A_167, %scan3A_229 : i32
      %shift_right_arithmetic3A_231 = arith.constant 6 : i32
      %shift_right_arithmetic3A_232 = arith.shrsi %scan3A_230, %shift_right_arithmetic3A_231 : i32
      %add3A_233 = arith.constant 0 : i32
      %add3A_234 = arith.addi %add3A_233, %shift_right_arithmetic3A_232 : i32
      %and3A_235 = arith.constant 63 : i32
      %and3A_236 = arith.andi %scan3A_230, %and3A_235 : i32
      %mul3A_237 = arith.constant 16 : i32
      %mul3A_238 = arith.muli %and3A_236, %mul3A_237 : i32
      %swap3A_239 = arith.index_cast %add3A_234 : i32 to index
      %swap3A_240 = arith.index_cast %mul3A_238 : i32 to index
      %swap3A_241 = tpu.vector_load %arg6[%swap3A_239, %swap3A_240] {strides = array<i32>} : memref<32x1024xf32, #tpu.memory_space<vmem>>, vector<16xf32>,
      tpu.vector_store %arg6[%swap3A_239, %swap3A_240], %broadcast_in_dim3A_4 {strides = array<i32>} : memref<32x1024xf32, #tpu.memory_space<vmem>>, vector<16xf32>,
      %scan3A_242 = arith.constant 6 : i32
      %scan3A_243 = arith.addi %scan3A_167, %scan3A_242 : i32
      %shift_right_arithmetic3A_244 = arith.constant 6 : i32
      %shift_right_arithmetic3A_245 = arith.shrsi %scan3A_243, %shift_right_arithmetic3A_244 : i32
      %add3A_246 = arith.constant 0 : i32
      %add3A_247 = arith.addi %add3A_246, %shift_right_arithmetic3A_245 : i32
      %and3A_248 = arith.constant 63 : i32
      %and3A_249 = arith.andi %scan3A_243, %and3A_248 : i32
      %mul3A_250 = arith.constant 16 : i32
      %mul3A_251 = arith.muli %and3A_249, %mul3A_250 : i32
      %swap3A_252 = arith.index_cast %add3A_247 : i32 to index
      %swap3A_253 = arith.index_cast %mul3A_251 : i32 to index
      %swap3A_254 = tpu.vector_load %arg6[%swap3A_252, %swap3A_253] {strides = array<i32>} : memref<32x1024xf32, #tpu.memory_space<vmem>>, vector<16xf32>,
      tpu.vector_store %arg6[%swap3A_252, %swap3A_253], %broadcast_in_dim3A_4 {strides = array<i32>} : memref<32x1024xf32, #tpu.memory_space<vmem>>, vector<16xf32>,
      %scan3A_255 = arith.constant 7 : i32
      %scan3A_256 = arith.addi %scan3A_167, %scan3A_255 : i32
      %shift_right_arithmetic3A_257 = arith.constant 6 : i32
      %shift_right_arithmetic3A_258 = arith.shrsi %scan3A_256, %shift_right_arithmetic3A_257 : i32
      %add3A_259 = arith.constant 0 : i32
      %add3A_260 = arith.addi %add3A_259, %shift_right_arithmetic3A_258 : i32
      %and3A_261 = arith.constant 63 : i32
      %and3A_262 = arith.andi %scan3A_256, %and3A_261 : i32
      %mul3A_263 = arith.constant 16 : i32
      %mul3A_264 = arith.muli %and3A_262, %mul3A_263 : i32
      %swap3A_265 = arith.index_cast %add3A_260 : i32 to index
      %swap3A_266 = arith.index_cast %mul3A_264 : i32 to index
      %swap3A_267 = tpu.vector_load %arg6[%swap3A_265, %swap3A_266] {strides = array<i32>} : memref<32x1024xf32, #tpu.memory_space<vmem>>, vector<16xf32>,
      tpu.vector_store %arg6[%swap3A_265, %swap3A_266], %broadcast_in_dim3A_4 {strides = array<i32>} : memref<32x1024xf32, #tpu.memory_space<vmem>>, vector<16xf32>,
    }
    %scan3A_82 = arith.constant 1024 : i32
    %get3A_83 = arith.constant 32 : index
    %get3A_84 = tpu.vector_load %arg4[%get3A_83] {strides = array<i32>} : memref<512xi32, #tpu.memory_space<vmem>>, vector<16xi32>,
    %and3A_85 = arith.constant 1023 : i32
    %and3A_86 = vector.broadcast %and3A_85 : i32 to vector<16xi32>
    %and3A_87 = arith.andi %get3A_84, %and3A_86 : vector<16xi32>
    %add3A_88 = arith.constant 0 : i32
    %add3A_89 = vector.broadcast %add3A_88 : i32 to vector<16xi32>
    %add3A_90 = arith.addi %iota3A, %add3A_89 : vector<16xi32>
    %get3A_91 = arith.constant 48 : index
    %get3A_92 = tpu.vector_load %arg4[%get3A_91] {strides = array<i32>} : memref<512xi32, #tpu.memory_space<vmem>>, vector<16xi32>,
    %and3A_93 = arith.constant 1023 : i32
    %and3A_94 = vector.broadcast %and3A_93 : i32 to vector<16xi32>
    %and3A_95 = arith.andi %get3A_92, %and3A_94 : vector<16xi32>
    %add3A_96 = arith.constant 16 : i32
    %add3A_97 = vector.broadcast %add3A_96 : i32 to vector<16xi32>
    %add3A_98 = arith.addi %iota3A, %add3A_97 : vector<16xi32>
    tpu.vector_store_idx %arg6[%add3A_90, %and3A_87], %broadcast_in_dim3A_6 : memref<32x1024xf32, #tpu.memory_space<vmem>>[vector<16xi32>, vector<16xi32>], vector<16xf32>,
    %add3A_99 = arith.constant 32 : i32
    %add3A_100 = arith.addi %mul3A_2, %add3A_99 : i32
    %add3A_101 = arith.constant 0 : i32
    %add3A_102 = arith.addi %add3A_100, %add3A_101 : i32
    %dma_start3A_103 = arith.constant 0 : i32
    %dma_start3A_104 = arith.constant 0 : i32
    %dma_start3A_105 = tpu.memref_slice %arg6[%dma_start3A_103, %dma_start3A_104] : memref<32x1024xf32, #tpu.memory_space<vmem>> -> memref<16x1024xf32, #tpu.memory_space<vmem>>
    %dma_start3A_106 = arith.constant 0 : i32
    %dma_start3A_107 = tpu.memref_slice %arg3[%add3A_102, %dma_start3A_106] : memref<16384x1024xf32, #tpu.memory_space<hbm>> -> memref<16x1024xf32, #tpu.memory_space<hbm>>
    %dma_start3A_108 = arith.constant 0 : i32
    %dma_start3A_109 = tpu.memref_slice %arg3[%add3A_102, %dma_start3A_108] : memref<16384x1024xf32, #tpu.memory_space<hbm>> -> memref<16x1024xf32, #tpu.memory_space<hbm>>
    %dma_start3A_110 = arith.constant 0 : i32
    %dma_start3A_111 = arith.constant 0 : i32
    %dma_start3A_112 = tpu.memref_slice %arg6[%dma_start3A_110, %dma_start3A_111] : memref<32x1024xf32, #tpu.memory_space<vmem>> -> memref<16x1024xf32, #tpu.memory_space<vmem>>
    tpu.enqueue_dma source(%dma_start3A_112 : memref<16x1024xf32, #tpu.memory_space<vmem>>) target(%dma_start3A_109 : memref<16x1024xf32, #tpu.memory_space<hbm>>) target_semaphore(%arg8 : memref<!tpu.dma_semaphore, #tpu.memory_space<semaphore_mem>>)
    %scan3A_113 = arith.constant 0 : i32
    %scan3A_114 = arith.constant 0 : i32
    %scan3A_115 = arith.constant 1024 : i32
    %scan3A_116 = arith.addi %scan3A_114, %scan3A_115 : i32
    %scan3A_117 = arith.constant 8 : i32
    scf.for %scan3A_167 = %scan3A_114 to %scan3A_116 step %scan3A_117  : i32 {
      %shift_right_arithmetic3A = arith.constant 6 : i32
      %shift_right_arithmetic3A_168 = arith.shrsi %scan3A_167, %shift_right_arithmetic3A : i32
      %add3A_169 = arith.constant 16 : i32
      %add3A_170 = arith.addi %add3A_169, %shift_right_arithmetic3A_168 : i32
      %and3A_171 = arith.constant 63 : i32
      %and3A_172 = arith.andi %scan3A_167, %and3A_171 : i32
      %mul3A_173 = arith.constant 16 : i32
      %mul3A_174 = arith.muli %and3A_172, %mul3A_173 : i32
      %swap3A = arith.index_cast %add3A_170 : i32 to index
      %swap3A_175 = arith.index_cast %mul3A_174 : i32 to index
      %swap3A_176 = tpu.vector_load %arg6[%swap3A, %swap3A_175] {strides = array<i32>} : memref<32x1024xf32, #tpu.memory_space<vmem>>, vector<16xf32>,
      tpu.vector_store %arg6[%swap3A, %swap3A_175], %broadcast_in_dim3A_4 {strides = array<i32>} : memref<32x1024xf32, #tpu.memory_space<vmem>>, vector<16xf32>,
      %scan3A_177 = arith.constant 1 : i32
      %scan3A_178 = arith.addi %scan3A_167, %scan3A_177 : i32
      %shift_right_arithmetic3A_179 = arith.constant 6 : i32
      %shift_right_arithmetic3A_180 = arith.shrsi %scan3A_178, %shift_right_arithmetic3A_179 : i32
      %add3A_181 = arith.constant 16 : i32
      %add3A_182 = arith.addi %add3A_181, %shift_right_arithmetic3A_180 : i32
      %and3A_183 = arith.constant 63 : i32
      %and3A_184 = arith.andi %scan3A_178, %and3A_183 : i32
      %mul3A_185 = arith.constant 16 : i32
      %mul3A_186 = arith.muli %and3A_184, %mul3A_185 : i32
      %swap3A_187 = arith.index_cast %add3A_182 : i32 to index
      %swap3A_188 = arith.index_cast %mul3A_186 : i32 to index
      %swap3A_189 = tpu.vector_load %arg6[%swap3A_187, %swap3A_188] {strides = array<i32>} : memref<32x1024xf32, #tpu.memory_space<vmem>>, vector<16xf32>,
      tpu.vector_store %arg6[%swap3A_187, %swap3A_188], %broadcast_in_dim3A_4 {strides = array<i32>} : memref<32x1024xf32, #tpu.memory_space<vmem>>, vector<16xf32>,
      %scan3A_190 = arith.constant 2 : i32
      %scan3A_191 = arith.addi %scan3A_167, %scan3A_190 : i32
      %shift_right_arithmetic3A_192 = arith.constant 6 : i32
      %shift_right_arithmetic3A_193 = arith.shrsi %scan3A_191, %shift_right_arithmetic3A_192 : i32
      %add3A_194 = arith.constant 16 : i32
      %add3A_195 = arith.addi %add3A_194, %shift_right_arithmetic3A_193 : i32
      %and3A_196 = arith.constant 63 : i32
      %and3A_197 = arith.andi %scan3A_191, %and3A_196 : i32
      %mul3A_198 = arith.constant 16 : i32
      %mul3A_199 = arith.muli %and3A_197, %mul3A_198 : i32
      %swap3A_200 = arith.index_cast %add3A_195 : i32 to index
      %swap3A_201 = arith.index_cast %mul3A_199 : i32 to index
      %swap3A_202 = tpu.vector_load %arg6[%swap3A_200, %swap3A_201] {strides = array<i32>} : memref<32x1024xf32, #tpu.memory_space<vmem>>, vector<16xf32>,
      tpu.vector_store %arg6[%swap3A_200, %swap3A_201], %broadcast_in_dim3A_4 {strides = array<i32>} : memref<32x1024xf32, #tpu.memory_space<vmem>>, vector<16xf32>,
      %scan3A_203 = arith.constant 3 : i32
      %scan3A_204 = arith.addi %scan3A_167, %scan3A_203 : i32
      %shift_right_arithmetic3A_205 = arith.constant 6 : i32
      %shift_right_arithmetic3A_206 = arith.shrsi %scan3A_204, %shift_right_arithmetic3A_205 : i32
      %add3A_207 = arith.constant 16 : i32
      %add3A_208 = arith.addi %add3A_207, %shift_right_arithmetic3A_206 : i32
      %and3A_209 = arith.constant 63 : i32
      %and3A_210 = arith.andi %scan3A_204, %and3A_209 : i32
      %mul3A_211 = arith.constant 16 : i32
      %mul3A_212 = arith.muli %and3A_210, %mul3A_211 : i32
      %swap3A_213 = arith.index_cast %add3A_208 : i32 to index
      %swap3A_214 = arith.index_cast %mul3A_212 : i32 to index
      %swap3A_215 = tpu.vector_load %arg6[%swap3A_213, %swap3A_214] {strides = array<i32>} : memref<32x1024xf32, #tpu.memory_space<vmem>>, vector<16xf32>,
      tpu.vector_store %arg6[%swap3A_213, %swap3A_214], %broadcast_in_dim3A_4 {strides = array<i32>} : memref<32x1024xf32, #tpu.memory_space<vmem>>, vector<16xf32>,
      %scan3A_216 = arith.constant 4 : i32
      %scan3A_217 = arith.addi %scan3A_167, %scan3A_216 : i32
      %shift_right_arithmetic3A_218 = arith.constant 6 : i32
      %shift_right_arithmetic3A_219 = arith.shrsi %scan3A_217, %shift_right_arithmetic3A_218 : i32
      %add3A_220 = arith.constant 16 : i32
      %add3A_221 = arith.addi %add3A_220, %shift_right_arithmetic3A_219 : i32
      %and3A_222 = arith.constant 63 : i32
      %and3A_223 = arith.andi %scan3A_217, %and3A_222 : i32
      %mul3A_224 = arith.constant 16 : i32
      %mul3A_225 = arith.muli %and3A_223, %mul3A_224 : i32
      %swap3A_226 = arith.index_cast %add3A_221 : i32 to index
      %swap3A_227 = arith.index_cast %mul3A_225 : i32 to index
      %swap3A_228 = tpu.vector_load %arg6[%swap3A_226, %swap3A_227] {strides = array<i32>} : memref<32x1024xf32, #tpu.memory_space<vmem>>, vector<16xf32>,
      tpu.vector_store %arg6[%swap3A_226, %swap3A_227], %broadcast_in_dim3A_4 {strides = array<i32>} : memref<32x1024xf32, #tpu.memory_space<vmem>>, vector<16xf32>,
      %scan3A_229 = arith.constant 5 : i32
      %scan3A_230 = arith.addi %scan3A_167, %scan3A_229 : i32
      %shift_right_arithmetic3A_231 = arith.constant 6 : i32
      %shift_right_arithmetic3A_232 = arith.shrsi %scan3A_230, %shift_right_arithmetic3A_231 : i32
      %add3A_233 = arith.constant 16 : i32
      %add3A_234 = arith.addi %add3A_233, %shift_right_arithmetic3A_232 : i32
      %and3A_235 = arith.constant 63 : i32
      %and3A_236 = arith.andi %scan3A_230, %and3A_235 : i32
      %mul3A_237 = arith.constant 16 : i32
      %mul3A_238 = arith.muli %and3A_236, %mul3A_237 : i32
      %swap3A_239 = arith.index_cast %add3A_234 : i32 to index
      %swap3A_240 = arith.index_cast %mul3A_238 : i32 to index
      %swap3A_241 = tpu.vector_load %arg6[%swap3A_239, %swap3A_240] {strides = array<i32>} : memref<32x1024xf32, #tpu.memory_space<vmem>>, vector<16xf32>,
      tpu.vector_store %arg6[%swap3A_239, %swap3A_240], %broadcast_in_dim3A_4 {strides = array<i32>} : memref<32x1024xf32, #tpu.memory_space<vmem>>, vector<16xf32>,
      %scan3A_242 = arith.constant 6 : i32
      %scan3A_243 = arith.addi %scan3A_167, %scan3A_242 : i32
      %shift_right_arithmetic3A_244 = arith.constant 6 : i32
      %shift_right_arithmetic3A_245 = arith.shrsi %scan3A_243, %shift_right_arithmetic3A_244 : i32
      %add3A_246 = arith.constant 16 : i32
      %add3A_247 = arith.addi %add3A_246, %shift_right_arithmetic3A_245 : i32
      %and3A_248 = arith.constant 63 : i32
      %and3A_249 = arith.andi %scan3A_243, %and3A_248 : i32
      %mul3A_250 = arith.constant 16 : i32
      %mul3A_251 = arith.muli %and3A_249, %mul3A_250 : i32
      %swap3A_252 = arith.index_cast %add3A_247 : i32 to index
      %swap3A_253 = arith.index_cast %mul3A_251 : i32 to index
      %swap3A_254 = tpu.vector_load %arg6[%swap3A_252, %swap3A_253] {strides = array<i32>} : memref<32x1024xf32, #tpu.memory_space<vmem>>, vector<16xf32>,
      tpu.vector_store %arg6[%swap3A_252, %swap3A_253], %broadcast_in_dim3A_4 {strides = array<i32>} : memref<32x1024xf32, #tpu.memory_space<vmem>>, vector<16xf32>,
      %scan3A_255 = arith.constant 7 : i32
      %scan3A_256 = arith.addi %scan3A_167, %scan3A_255 : i32
      %shift_right_arithmetic3A_257 = arith.constant 6 : i32
      %shift_right_arithmetic3A_258 = arith.shrsi %scan3A_256, %shift_right_arithmetic3A_257 : i32
      %add3A_259 = arith.constant 16 : i32
      %add3A_260 = arith.addi %add3A_259, %shift_right_arithmetic3A_258 : i32
      %and3A_261 = arith.constant 63 : i32
      %and3A_262 = arith.andi %scan3A_256, %and3A_261 : i32
      %mul3A_263 = arith.constant 16 : i32
      %mul3A_264 = arith.muli %and3A_262, %mul3A_263 : i32
      %swap3A_265 = arith.index_cast %add3A_260 : i32 to index
      %swap3A_266 = arith.index_cast %mul3A_264 : i32 to index
      %swap3A_267 = tpu.vector_load %arg6[%swap3A_265, %swap3A_266] {strides = array<i32>} : memref<32x1024xf32, #tpu.memory_space<vmem>>, vector<16xf32>,
      tpu.vector_store %arg6[%swap3A_265, %swap3A_266], %broadcast_in_dim3A_4 {strides = array<i32>} : memref<32x1024xf32, #tpu.memory_space<vmem>>, vector<16xf32>,
    }
    %scan3A_118 = arith.constant 1024 : i32
    %get3A_119 = arith.constant 32 : index
    %get3A_120 = tpu.vector_load %arg4[%get3A_119] {strides = array<i32>} : memref<512xi32, #tpu.memory_space<vmem>>, vector<16xi32>,
    %and3A_121 = arith.constant 1023 : i32
    %and3A_122 = vector.broadcast %and3A_121 : i32 to vector<16xi32>
    %and3A_123 = arith.andi %get3A_120, %and3A_122 : vector<16xi32>
    %add3A_124 = arith.constant 0 : i32
    %add3A_125 = vector.broadcast %add3A_124 : i32 to vector<16xi32>
    %add3A_126 = arith.addi %iota3A, %add3A_125 : vector<16xi32>
    %get3A_127 = arith.constant 48 : index
    %get3A_128 = tpu.vector_load %arg4[%get3A_127] {strides = array<i32>} : memref<512xi32, #tpu.memory_space<vmem>>, vector<16xi32>,
    %and3A_129 = arith.constant 1023 : i32
    %and3A_130 = vector.broadcast %and3A_129 : i32 to vector<16xi32>
    %and3A_131 = arith.andi %get3A_128, %and3A_130 : vector<16xi32>
    %add3A_132 = arith.constant 16 : i32
    %add3A_133 = vector.broadcast %add3A_132 : i32 to vector<16xi32>
    %add3A_134 = arith.addi %iota3A, %add3A_133 : vector<16xi32>
    tpu.vector_store_idx %arg6[%add3A_134, %and3A_131], %broadcast_in_dim3A_6 : memref<32x1024xf32, #tpu.memory_space<vmem>>[vector<16xi32>, vector<16xi32>], vector<16xf32>,
    %add3A_135 = arith.constant 32 : i32
    %add3A_136 = arith.addi %mul3A_2, %add3A_135 : i32
    %add3A_137 = arith.constant 16 : i32
    %add3A_138 = arith.addi %add3A_136, %add3A_137 : i32
    %dma_start3A_139 = arith.constant 16 : i32
    %dma_start3A_140 = arith.constant 0 : i32
    %dma_start3A_141 = tpu.memref_slice %arg6[%dma_start3A_139, %dma_start3A_140] : memref<32x1024xf32, #tpu.memory_space<vmem>> -> memref<16x1024xf32, #tpu.memory_space<vmem>>
    %dma_start3A_142 = arith.constant 0 : i32
    %dma_start3A_143 = tpu.memref_slice %arg3[%add3A_138, %dma_start3A_142] : memref<16384x1024xf32, #tpu.memory_space<hbm>> -> memref<16x1024xf32, #tpu.memory_space<hbm>>
    %dma_start3A_144 = arith.constant 0 : i32
    %dma_start3A_145 = tpu.memref_slice %arg3[%add3A_138, %dma_start3A_144] : memref<16384x1024xf32, #tpu.memory_space<hbm>> -> memref<16x1024xf32, #tpu.memory_space<hbm>>
    %dma_start3A_146 = arith.constant 16 : i32
    %dma_start3A_147 = arith.constant 0 : i32
    %dma_start3A_148 = tpu.memref_slice %arg6[%dma_start3A_146, %dma_start3A_147] : memref<32x1024xf32, #tpu.memory_space<vmem>> -> memref<16x1024xf32, #tpu.memory_space<vmem>>
    tpu.enqueue_dma source(%dma_start3A_148 : memref<16x1024xf32, #tpu.memory_space<vmem>>) target(%dma_start3A_145 : memref<16x1024xf32, #tpu.memory_space<hbm>>) target_semaphore(%arg8 : memref<!tpu.dma_semaphore, #tpu.memory_space<semaphore_mem>>)
    %scan3A_149 = arith.constant 0 : i32
    %scan3A_150 = arith.constant 1 : i32
    %scan3A_151 = arith.constant 7 : i32
    %scan3A_152 = arith.addi %scan3A_150, %scan3A_151 : i32
    %scan3A_153 = arith.constant 1 : i32
    scf.for %scan3A_167 = %scan3A_150 to %scan3A_152 step %scan3A_153  : i32 {
      %mul3A_168 = arith.constant 2 : i32
      %mul3A_169 = arith.muli %scan3A_167, %mul3A_168 : i32
      %add3A_170 = arith.constant 0 : i32
      %add3A_171 = arith.addi %mul3A_169, %add3A_170 : i32
      %mul3A_172 = arith.constant 32 : i32
      %mul3A_173 = arith.muli %add3A_171, %mul3A_172 : i32
      %add3A_174 = arith.addi %mul3A_2, %mul3A_173 : i32
      %dma_wait3A_175 = arith.constant 0 : i32
      %dma_wait3A_176 = tpu.memref_slice %arg3[%add3A_174, %dma_wait3A_175] : memref<16384x1024xf32, #tpu.memory_space<hbm>> -> memref<32x1024xf32, #tpu.memory_space<hbm>>
      %dma_wait3A_177 = arith.constant 0 : i32
      %dma_wait3A_178 = tpu.memref_slice %arg3[%add3A_174, %dma_wait3A_177] : memref<16384x1024xf32, #tpu.memory_space<hbm>> -> memref<32x1024xf32, #tpu.memory_space<hbm>>
      tpu.wait_dma2 semaphore(%arg7 : memref<!tpu.dma_semaphore, #tpu.memory_space<semaphore_mem>>) src(%arg5 : memref<32x1024xf32, #tpu.memory_space<vmem>>) dst(%dma_wait3A_178 : memref<32x1024xf32, #tpu.memory_space<hbm>>)
      %sub3A = arith.constant 2 : i32
      %sub3A_179 = arith.subi %add3A_171, %sub3A : i32
      %mul3A_180 = arith.constant 32 : i32
      %mul3A_181 = arith.muli %sub3A_179, %mul3A_180 : i32
      %add3A_182 = arith.constant 0 : i32
      %add3A_183 = arith.addi %mul3A_181, %add3A_182 : i32
      %get3A_184 = arith.index_cast %add3A_183 : i32 to index
      %get3A_185 = tpu.vector_load %arg4[%get3A_184] {strides = array<i32>} : memref<512xi32, #tpu.memory_space<vmem>>, vector<16xi32>,
      %and3A_186 = arith.constant 1023 : i32
      %and3A_187 = vector.broadcast %and3A_186 : i32 to vector<16xi32>
      %and3A_188 = arith.andi %get3A_185, %and3A_187 : vector<16xi32>
      %add3A_189 = arith.constant 0 : i32
      %add3A_190 = vector.broadcast %add3A_189 : i32 to vector<16xi32>
      %add3A_191 = arith.addi %iota3A, %add3A_190 : vector<16xi32>
      %mul3A_192 = arith.constant 32 : i32
      %mul3A_193 = arith.muli %sub3A_179, %mul3A_192 : i32
      %add3A_194 = arith.constant 16 : i32
      %add3A_195 = arith.addi %mul3A_193, %add3A_194 : i32
      %get3A_196 = arith.index_cast %add3A_195 : i32 to index
      %get3A_197 = tpu.vector_load %arg4[%get3A_196] {strides = array<i32>} : memref<512xi32, #tpu.memory_space<vmem>>, vector<16xi32>,
      %and3A_198 = arith.constant 1023 : i32
      %and3A_199 = vector.broadcast %and3A_198 : i32 to vector<16xi32>
      %and3A_200 = arith.andi %get3A_197, %and3A_199 : vector<16xi32>
      %add3A_201 = arith.constant 16 : i32
      %add3A_202 = vector.broadcast %add3A_201 : i32 to vector<16xi32>
      %add3A_203 = arith.addi %iota3A, %add3A_202 : vector<16xi32>
      tpu.vector_store_idx %arg5[%add3A_191, %and3A_188], %broadcast_in_dim3A_4 : memref<32x1024xf32, #tpu.memory_space<vmem>>[vector<16xi32>, vector<16xi32>], vector<16xf32>,
      tpu.vector_store_idx %arg5[%add3A_203, %and3A_200], %broadcast_in_dim3A_4 : memref<32x1024xf32, #tpu.memory_space<vmem>>[vector<16xi32>, vector<16xi32>], vector<16xf32>,
      %mul3A_204 = arith.constant 32 : i32
      %mul3A_205 = arith.muli %add3A_171, %mul3A_204 : i32
      %add3A_206 = arith.constant 0 : i32
      %add3A_207 = arith.addi %mul3A_205, %add3A_206 : i32
      %get3A_208 = arith.index_cast %add3A_207 : i32 to index
      %get3A_209 = tpu.vector_load %arg4[%get3A_208] {strides = array<i32>} : memref<512xi32, #tpu.memory_space<vmem>>, vector<16xi32>,
      %and3A_210 = arith.constant 1023 : i32
      %and3A_211 = vector.broadcast %and3A_210 : i32 to vector<16xi32>
      %and3A_212 = arith.andi %get3A_209, %and3A_211 : vector<16xi32>
      %add3A_213 = arith.constant 0 : i32
      %add3A_214 = vector.broadcast %add3A_213 : i32 to vector<16xi32>
      %add3A_215 = arith.addi %iota3A, %add3A_214 : vector<16xi32>
      %mul3A_216 = arith.constant 32 : i32
      %mul3A_217 = arith.muli %add3A_171, %mul3A_216 : i32
      %add3A_218 = arith.constant 16 : i32
      %add3A_219 = arith.addi %mul3A_217, %add3A_218 : i32
      %get3A_220 = arith.index_cast %add3A_219 : i32 to index
      %get3A_221 = tpu.vector_load %arg4[%get3A_220] {strides = array<i32>} : memref<512xi32, #tpu.memory_space<vmem>>, vector<16xi32>,
      %and3A_222 = arith.constant 1023 : i32
      %and3A_223 = vector.broadcast %and3A_222 : i32 to vector<16xi32>
      %and3A_224 = arith.andi %get3A_221, %and3A_223 : vector<16xi32>
      %add3A_225 = arith.constant 16 : i32
      %add3A_226 = vector.broadcast %add3A_225 : i32 to vector<16xi32>
      %add3A_227 = arith.addi %iota3A, %add3A_226 : vector<16xi32>
      tpu.vector_store_idx %arg5[%add3A_215, %and3A_212], %broadcast_in_dim3A_6 : memref<32x1024xf32, #tpu.memory_space<vmem>>[vector<16xi32>, vector<16xi32>], vector<16xf32>,
      tpu.vector_store_idx %arg5[%add3A_227, %and3A_224], %broadcast_in_dim3A_6 : memref<32x1024xf32, #tpu.memory_space<vmem>>[vector<16xi32>, vector<16xi32>], vector<16xf32>,
      %mul3A_228 = arith.constant 32 : i32
      %mul3A_229 = arith.muli %add3A_171, %mul3A_228 : i32
      %add3A_230 = arith.addi %mul3A_2, %mul3A_229 : i32
      %dma_start3A_231 = arith.constant 0 : i32
      %dma_start3A_232 = tpu.memref_slice %arg3[%add3A_230, %dma_start3A_231] : memref<16384x1024xf32, #tpu.memory_space<hbm>> -> memref<32x1024xf32, #tpu.memory_space<hbm>>
      %dma_start3A_233 = arith.constant 0 : i32
      %dma_start3A_234 = tpu.memref_slice %arg3[%add3A_230, %dma_start3A_233] : memref<16384x1024xf32, #tpu.memory_space<hbm>> -> memref<32x1024xf32, #tpu.memory_space<hbm>>
      tpu.enqueue_dma source(%arg5 : memref<32x1024xf32, #tpu.memory_space<vmem>>) target(%dma_start3A_234 : memref<32x1024xf32, #tpu.memory_space<hbm>>) target_semaphore(%arg7 : memref<!tpu.dma_semaphore, #tpu.memory_space<semaphore_mem>>)
      %mul3A_235 = arith.constant 2 : i32
      %mul3A_236 = arith.muli %scan3A_167, %mul3A_235 : i32
      %add3A_237 = arith.constant 1 : i32
      %add3A_238 = arith.addi %mul3A_236, %add3A_237 : i32
      %mul3A_239 = arith.constant 32 : i32
      %mul3A_240 = arith.muli %add3A_238, %mul3A_239 : i32
      %add3A_241 = arith.addi %mul3A_2, %mul3A_240 : i32
      %dma_wait3A_242 = arith.constant 0 : i32
      %dma_wait3A_243 = tpu.memref_slice %arg3[%add3A_241, %dma_wait3A_242] : memref<16384x1024xf32, #tpu.memory_space<hbm>> -> memref<32x1024xf32, #tpu.memory_space<hbm>>
      %dma_wait3A_244 = arith.constant 0 : i32
      %dma_wait3A_245 = tpu.memref_slice %arg3[%add3A_241, %dma_wait3A_244] : memref<16384x1024xf32, #tpu.memory_space<hbm>> -> memref<32x1024xf32, #tpu.memory_space<hbm>>
      tpu.wait_dma2 semaphore(%arg8 : memref<!tpu.dma_semaphore, #tpu.memory_space<semaphore_mem>>) src(%arg6 : memref<32x1024xf32, #tpu.memory_space<vmem>>) dst(%dma_wait3A_245 : memref<32x1024xf32, #tpu.memory_space<hbm>>)
      %sub3A_246 = arith.constant 2 : i32
      %sub3A_247 = arith.subi %add3A_238, %sub3A_246 : i32
      %mul3A_248 = arith.constant 32 : i32
      %mul3A_249 = arith.muli %sub3A_247, %mul3A_248 : i32
      %add3A_250 = arith.constant 0 : i32
      %add3A_251 = arith.addi %mul3A_249, %add3A_250 : i32
      %get3A_252 = arith.index_cast %add3A_251 : i32 to index
      %get3A_253 = tpu.vector_load %arg4[%get3A_252] {strides = array<i32>} : memref<512xi32, #tpu.memory_space<vmem>>, vector<16xi32>,
      %and3A_254 = arith.constant 1023 : i32
      %and3A_255 = vector.broadcast %and3A_254 : i32 to vector<16xi32>
      %and3A_256 = arith.andi %get3A_253, %and3A_255 : vector<16xi32>
      %add3A_257 = arith.constant 0 : i32
      %add3A_258 = vector.broadcast %add3A_257 : i32 to vector<16xi32>
      %add3A_259 = arith.addi %iota3A, %add3A_258 : vector<16xi32>
      %mul3A_260 = arith.constant 32 : i32
      %mul3A_261 = arith.muli %sub3A_247, %mul3A_260 : i32
      %add3A_262 = arith.constant 16 : i32
      %add3A_263 = arith.addi %mul3A_261, %add3A_262 : i32
      %get3A_264 = arith.index_cast %add3A_263 : i32 to index
      %get3A_265 = tpu.vector_load %arg4[%get3A_264] {strides = array<i32>} : memref<512xi32, #tpu.memory_space<vmem>>, vector<16xi32>,
      %and3A_266 = arith.constant 1023 : i32
      %and3A_267 = vector.broadcast %and3A_266 : i32 to vector<16xi32>
      %and3A_268 = arith.andi %get3A_265, %and3A_267 : vector<16xi32>
      %add3A_269 = arith.constant 16 : i32
      %add3A_270 = vector.broadcast %add3A_269 : i32 to vector<16xi32>
      %add3A_271 = arith.addi %iota3A, %add3A_270 : vector<16xi32>
      tpu.vector_store_idx %arg6[%add3A_259, %and3A_256], %broadcast_in_dim3A_4 : memref<32x1024xf32, #tpu.memory_space<vmem>>[vector<16xi32>, vector<16xi32>], vector<16xf32>,
      tpu.vector_store_idx %arg6[%add3A_271, %and3A_268], %broadcast_in_dim3A_4 : memref<32x1024xf32, #tpu.memory_space<vmem>>[vector<16xi32>, vector<16xi32>], vector<16xf32>,
      %mul3A_272 = arith.constant 32 : i32
      %mul3A_273 = arith.muli %add3A_238, %mul3A_272 : i32
      %add3A_274 = arith.constant 0 : i32
      %add3A_275 = arith.addi %mul3A_273, %add3A_274 : i32
      %get3A_276 = arith.index_cast %add3A_275 : i32 to index
      %get3A_277 = tpu.vector_load %arg4[%get3A_276] {strides = array<i32>} : memref<512xi32, #tpu.memory_space<vmem>>, vector<16xi32>,
      %and3A_278 = arith.constant 1023 : i32
      %and3A_279 = vector.broadcast %and3A_278 : i32 to vector<16xi32>
      %and3A_280 = arith.andi %get3A_277, %and3A_279 : vector<16xi32>
      %add3A_281 = arith.constant 0 : i32
      %add3A_282 = vector.broadcast %add3A_281 : i32 to vector<16xi32>
      %add3A_283 = arith.addi %iota3A, %add3A_282 : vector<16xi32>
      %mul3A_284 = arith.constant 32 : i32
      %mul3A_285 = arith.muli %add3A_238, %mul3A_284 : i32
      %add3A_286 = arith.constant 16 : i32
      %add3A_287 = arith.addi %mul3A_285, %add3A_286 : i32
      %get3A_288 = arith.index_cast %add3A_287 : i32 to index
      %get3A_289 = tpu.vector_load %arg4[%get3A_288] {strides = array<i32>} : memref<512xi32, #tpu.memory_space<vmem>>, vector<16xi32>,
      %and3A_290 = arith.constant 1023 : i32
      %and3A_291 = vector.broadcast %and3A_290 : i32 to vector<16xi32>
      %and3A_292 = arith.andi %get3A_289, %and3A_291 : vector<16xi32>
      %add3A_293 = arith.constant 16 : i32
      %add3A_294 = vector.broadcast %add3A_293 : i32 to vector<16xi32>
      %add3A_295 = arith.addi %iota3A, %add3A_294 : vector<16xi32>
      tpu.vector_store_idx %arg6[%add3A_283, %and3A_280], %broadcast_in_dim3A_6 : memref<32x1024xf32, #tpu.memory_space<vmem>>[vector<16xi32>, vector<16xi32>], vector<16xf32>,
      tpu.vector_store_idx %arg6[%add3A_295, %and3A_292], %broadcast_in_dim3A_6 : memref<32x1024xf32, #tpu.memory_space<vmem>>[vector<16xi32>, vector<16xi32>], vector<16xf32>,
      %mul3A_296 = arith.constant 32 : i32
      %mul3A_297 = arith.muli %add3A_238, %mul3A_296 : i32
      %add3A_298 = arith.addi %mul3A_2, %mul3A_297 : i32
      %dma_start3A_299 = arith.constant 0 : i32
      %dma_start3A_300 = tpu.memref_slice %arg3[%add3A_298, %dma_start3A_299] : memref<16384x1024xf32, #tpu.memory_space<hbm>> -> memref<32x1024xf32, #tpu.memory_space<hbm>>
      %dma_start3A_301 = arith.constant 0 : i32
      %dma_start3A_302 = tpu.memref_slice %arg3[%add3A_298, %dma_start3A_301] : memref<16384x1024xf32, #tpu.memory_space<hbm>> -> memref<32x1024xf32, #tpu.memory_space<hbm>>
      tpu.enqueue_dma source(%arg6 : memref<32x1024xf32, #tpu.memory_space<vmem>>) target(%dma_start3A_302 : memref<32x1024xf32, #tpu.memory_space<hbm>>) target_semaphore(%arg8 : memref<!tpu.dma_semaphore, #tpu.memory_space<semaphore_mem>>)
    }
    %scan3A_154 = arith.constant 7 : i32
    %add3A_155 = arith.constant 448 : i32
    %add3A_156 = arith.addi %mul3A_2, %add3A_155 : i32
    %dma_wait3A_157 = arith.constant 0 : i32
    %dma_wait3A_158 = tpu.memref_slice %arg3[%add3A_156, %dma_wait3A_157] : memref<16384x1024xf32, #tpu.memory_space<hbm>> -> memref<32x1024xf32, #tpu.memory_space<hbm>>
    %dma_wait3A_159 = arith.constant 0 : i32
    %dma_wait3A_160 = tpu.memref_slice %arg3[%add3A_156, %dma_wait3A_159] : memref<16384x1024xf32, #tpu.memory_space<hbm>> -> memref<32x1024xf32, #tpu.memory_space<hbm>>
    tpu.wait_dma2 semaphore(%arg7 : memref<!tpu.dma_semaphore, #tpu.memory_space<semaphore_mem>>) src(%arg5 : memref<32x1024xf32, #tpu.memory_space<vmem>>) dst(%dma_wait3A_160 : memref<32x1024xf32, #tpu.memory_space<hbm>>)
    %add3A_161 = arith.constant 480 : i32
    %add3A_162 = arith.addi %mul3A_2, %add3A_161 : i32
    %dma_wait3A_163 = arith.constant 0 : i32
    %dma_wait3A_164 = tpu.memref_slice %arg3[%add3A_162, %dma_wait3A_163] : memref<16384x1024xf32, #tpu.memory_space<hbm>> -> memref<32x1024xf32, #tpu.memory_space<hbm>>
    %dma_wait3A_165 = arith.constant 0 : i32
    %dma_wait3A_166 = tpu.memref_slice %arg3[%add3A_162, %dma_wait3A_165] : memref<16384x1024xf32, #tpu.memory_space<hbm>> -> memref<32x1024xf32, #tpu.memory_space<hbm>>
    tpu.wait_dma2 semaphore(%arg8 : memref<!tpu.dma_semaphore, #tpu.memory_space<semaphore_mem>>) src(%arg6 : memref<32x1024xf32, #tpu.memory_space<vmem>>) dst(%dma_wait3A_166 : memref<32x1024xf32, #tpu.memory_space<hbm>>)
    return
  }
}

</mosaic_0001>

<sc_bundles>
// kernel: kernel.3.cloned.1.call-start
scs
__scs_entry_jumppad:
0x0: {  	(pc) =	sbr.rel $0x88, $3  }
0x1: {  	(tag) =	ssettag $0x0;
	lr =	simm.s32 $0x1  }
0x2: {  	[smem:$0x3FA0] =	sst lr;
	_ =	strace $0xD0000000  }
0x3: {  	_ = 	snop  }
0x4: {  	_ = 	snop  }
0x5: {  	_ = 	snop  }
0x6: {  	_ = 	snop  }
0x7: {  	_ = 	snop  }
__scs_overlays_trampoline_lowered:
0x8: {  	[smem:$0x3FAF] =	sst s0  }
0x9: {  	[smem:$0x3FB0] =	sst s1  }
0xa: {  	[smem:$0x3FB1] =	sst s2  }
0xb: {  	[smem:$0x3FB2] =	sst s3  }
0xc: {  	[smem:$0x3FB3] =	sst s4  }
0xd: {  	[smem:$0x3FB4] =	sst s5  }
0xe: {  	[smem:$0x3FB5] =	sst s6  }
0xf: {  	[smem:$0x3FB6] =	sst s7  }
0x10: {  	[smem:$0x3FB7] =	sst s8  }
0x11: {  	[smem:$0x3FB8] =	sst s9;
	s0 =	simm.s32 @!p0 $0x0  }
0x12: {  	s1 =	sld [smem:$0x3F9E];
	s0 =	simm.s32 @p0 $0x1  }
0x13: {  	[smem:$0x3FB9] =	sst s0;
	s0 =	simm.s32 @!p1 $0x0  }
0x14: {  	s2 =	sld [smem:$0x3F9D];
	s0 =	simm.s32 @p1 $0x1  }
0x15: {  	[smem:$0x3FBA] =	sst s0;
	s0 =	simm.s32 @!p2 $0x0  }
0x16: {  	s3 =	sld [smem:$0x3FDB];
	s0 =	simm.s32 @p2 $0x1  }
0x17: {  	s4 =	simm.s32 $0x1BF5;
	[smem:$0x3FBC] =	sst s0  }
0x18: {  	s0 =	sld [smem:$0x3F9F];
	_ =	swait.ge [sflag:s4], $0x0  }
0x19: {  	s7 =	sld [smem:$0x3FA0]  }
0x1a: {  	s8 =	sadd.s32 $0xFFFFE003, lr  }
0x1b: {  	s9 =	sadd.s32 $0xFFFFFEF7, lr;
	s5 =	simm.s32 $0xFFFFFFFF;
	p2 =	slt.u32 s8, $0xFFFFF086  }
0x1c: {  	p1 =	slt.u32 s9, $0xF7A;
	s5 =	simm.s32 @!p2 $0x0  }
0x1d: {  	s5 =	simm.s32 @p1 $0x1;
	p0 =	seq.s32 s7, s2  }
0x1e: {  	s7 =	smul.u32 @!p0 $0xF7A, s2;
	p2 =	seq.s32 @!p0 s5, $0x0  }
0x1f: {  	s9 =	smul.u32 $0xF7A, s1;
	s8 =	simm.s32 @!p0 $0x1BF5;
	p2 =	por !p2, p0  }
0x20: {  	[sflag:s8] =	ssyncset.s32 @!p0 $0xFFFFF086;
	s6 =	sadd.s32 @!p0 s3, s7;
	s7 =	simm.s32 @!p0 $0x108  }
0x21: {  	s3 =	sadd.s32 s3, s9;
	s6 =	sadd.s32 @!p0 $0x88, s6;
	s7 =	simm.s32 @p2 $0x1082  }
0x22: {  	[simem:s7], [sflag:s8] =	dma.local @!p0 [hbm:s6], $0xF7A  }
0x23: {  	s9 =	sor.u32 $0xD0000000, s2;
	s6 =	simm.s32 $0x108;
	_ =	swait.ge @!p0 [sflag:s8], $0x0  }
0x24: {  	s3 =	sadd.s32 $0x88, s3;
	s6 =	simm.s32 @!p1 $0x1082;
	[sflag:s4] =	ssyncset.s32 $0xFFFFF086  }
0x25: {  	[simem:s6], [sflag:s4] =	dma.local [hbm:s3], $0xF7A  }
0x26: {  	[smem:$0x3FA0] =	sst s1;
	(tag) =	ssettag s2;
	_ =	strace s9  }
0x27: {  	s1 =	sld [smem:$0x3FB0]  }
0x28: {  	s2 =	sld [smem:$0x3FB1]  }
0x29: {  	s4 =	sld [smem:$0x3FB3]  }
0x2a: {  	p0 =	seq.s32 s5, $0x0;
	s5 =	sld [smem:$0x3FB4]  }
0x2b: {  	s6 =	sld [smem:$0x3FB5]  }
0x2c: {  	s7 =	sld [smem:$0x3FB6]  }
0x2d: {  	s3 =	simm.s32 $0x108;
	s8 =	sld [smem:$0x3FB7]  }
0x2e: {  	s3 =	simm.s32 @!p0 $0x1082;
	s9 =	sld [smem:$0x3FB8]  }
0x2f: {  	lr =	sadd.s32 s0, s3;
	s0 =	sld [smem:$0x3FAF]  }
0x30: {  	s3 =	sld [smem:$0x3FB2]  }
0x31: {  	[smem:$0x3FBB] =	sst s10  }
0x32: {  	s10 =	sld [smem:$0x3FB9];
	_ =	sdelay $0x3  }
0x33: {  	p0 =	seq.s32 s10, $0x1;
	s10 =	sld [smem:$0x3FBB];
	_ =	sdelay $0x3  }
0x34: {  	[smem:$0x3FBB] =	sst s10  }
0x35: {  	s10 =	sld [smem:$0x3FBA];
	_ =	sdelay $0x3  }
0x36: {  	p1 =	seq.s32 s10, $0x1;
	s10 =	sld [smem:$0x3FBB];
	_ =	sdelay $0x3  }
0x37: {  	[smem:$0x3FBB] =	sst s10  }
0x38: {  	s10 =	sld [smem:$0x3FBC]  }
0x39: {  	_ = 	snop;
	(pc) =	sbr.ind lr, $3  }
0x3a: {  	_ = 	snop  }
0x3b: {  	_ = 	snop  }
0x3c: {  	p2 =	seq.s32 s10, $0x1;
	s10 =	sld [smem:$0x3FBB]  }
0x3d: {  	_ =	shalt  }
0x3e: {  	_ =	shalt  }
0x3f: {  	_ =	shalt  }
0x40: {  	_ =	shalt  }
0x41: {  	_ =	shalt  }
0x42: {  	_ =	shalt  }
0x43: {  	_ =	shalt  }
0x44: {  	_ =	shalt  }
0x45: {  	_ =	shalt  }
0x46: {  	_ =	shalt  }
0x47: {  	_ =	shalt  }
0x48: {  	_ =	shalt  }
0x49: {  	_ =	shalt  }
0x4a: {  	_ =	shalt  }
0x4b: {  	_ =	shalt  }
0x4c: {  	_ =	shalt  }
0x4d: {  	_ =	shalt  }
0x4e: {  	_ =	shalt  }
0x4f: {  	_ =	shalt  }
0x50: {  	_ =	shalt  }
0x51: {  	_ =	shalt  }
0x52: {  	_ =	shalt  }
0x53: {  	_ =	shalt  }
0x54: {  	_ =	shalt  }
0x55: {  	_ =	shalt  }
0x56: {  	_ =	shalt  }
0x57: {  	_ =	shalt  }
0x58: {  	_ =	shalt  }
0x59: {  	_ =	shalt  }
0x5a: {  	_ =	shalt  }
0x5b: {  	_ =	shalt  }
0x5c: {  	_ =	shalt  }
0x5d: {  	_ =	shalt  }
0x5e: {  	_ =	shalt  }
0x5f: {  	_ =	shalt  }
0x60: {  	_ =	shalt  }
0x61: {  	_ =	shalt  }
0x62: {  	_ =	shalt  }
0x63: {  	_ =	shalt  }
0x64: {  	_ =	shalt  }
0x65: {  	_ =	shalt  }
0x66: {  	_ =	shalt  }
0x67: {  	_ =	shalt  }
0x68: {  	_ =	shalt  }
0x69: {  	_ =	shalt  }
0x6a: {  	_ =	shalt  }
0x6b: {  	_ =	shalt  }
0x6c: {  	_ =	shalt  }
0x6d: {  	_ =	shalt  }
0x6e: {  	_ =	shalt  }
0x6f: {  	_ =	shalt  }
0x70: {  	_ =	shalt  }
0x71: {  	_ =	shalt  }
0x72: {  	_ =	shalt  }
0x73: {  	_ =	shalt  }
0x74: {  	_ =	shalt  }
0x75: {  	_ =	shalt  }
0x76: {  	_ =	shalt  }
0x77: {  	_ =	shalt  }
0x78: {  	_ =	shalt  }
0x79: {  	_ =	shalt  }
0x7a: {  	_ =	shalt  }
0x7b: {  	_ =	shalt  }
0x7c: {  	_ =	shalt  }
0x7d: {  	_ =	shalt  }
0x7e: {  	_ =	shalt  }
0x7f: {  	_ =	shalt  }
0x80: {  	_ =	shalt  }
0x81: {  	_ =	shalt  }
0x82: {  	_ =	shalt  }
0x83: {  	_ =	shalt  }
0x84: {  	_ =	shalt  }
0x85: {  	_ =	shalt  }
0x86: {  	_ =	shalt  }
0x87: {  	_ =	shalt  }
.Lfunc_end0:
.L_simem_size_0:
called_computation_lowered:
.L_overlay_start_0:
0x88: {  	s2 =	sld [smem:$0x3FD9]  }
0x89: {  	s3 =	sld [smem:$0x3FFE];
	_ =	sdelay $0x1  }
0x8a: {  	s1 =	srdreg.scid  }
0x8b: {  	s0 =	sand.u32 $0x1, s1  }
0x8c: {  	s18 =	sshll.u32 s0, $0xA;
	s2 =	sadd.s32 s3, s2  }
0x8d: {  	s2 =	sadd.s32 s2, s18  }
0x8e: {  	[smem:$0x3FC7] =	sst s2  }
0x8f: {  	_ = 	snop  }
0x90: {  	s2 =	sld [smem:$0x3FC9]  }
0x91: {  	s19 =	sld [smem:$0x3FD0];
	(tm) =	ssettm $0x1  }
0x92: {  	s4 =	sld [smem:$0x3FFB];
	_ =	sdelay $0x3  }
0x93: {  	_ =	strace s4  }
0x94: {  	s4 =	sld [smem:$0x3FFC];
	_ =	sdelay $0x3  }
0x95: {  	_ =	strace s4  }
0x96: {  	s4 =	sld [smem:$0x3FFD];
	_ =	sdelay $0x3  }
0x97: {  	_ =	strace s4  }
0x98: {  	_ =	strace $0x8FFFFFFF  }
0x99: {  	s20 =	sld [smem:$0x3FDB];
	_ =	sdelay $0x1  }
0x9a: {  	s5 =	simm.s32 $_scs_section_size  }
0x9b: {  	s6 =	simm.s32 $_size__tile_overlayer_lowered;
	s7 =	simm.s32 $_tile_overlayer_lowered  }
0x9c: {  	s23 =	simm.s32 $0x1BFF;
	s22 =	sshll.u32 s7, $0x1;
	s4 =	sadd.s32 s5, s20  }
0x9d: {  	s8 =	simm.s32 $0x0;
	s21 =	sshll.u32 s6, $0x1;
	s6 =	sadd.s32 s22, s4  }
0x9e: {  	[timem:s8], [sflag:s23] =	dma.local [hbm:s6], s21  }
0x9f: {  	_ =	swait.ge [sflag:s23], s21  }
0xa0: {  	s5 =	ssub.s32 $0x0, s21;
	[sflag:s23] =	ssyncset.done $0x0  }
0xa1: {  	[sflag:s23] =	ssyncadd.s32 s5;
	_ =	sdelay $0x1  }
0xa2: {  	s24 =	simm.s32 $0x1B8B  }
0xa3: {  	_ =	swait.ge [sflag:s24], $0x1  }
0xa4: {  	[sflag:s24] =	ssyncset.done $0x0  }
0xa5: {  	s25 =	simm.s32 $0x1B8E;
	[sflag:s24] =	ssyncadd.s32 $0xFFFFFFFF  }
0xa6: {  	s26 =	simm.s32 $execute0_lowered;
	[smem:$0x3FD2] =	sst s25  }
0xa7: {  	s5 =	sshll.u32 s26, $0x1;
	_ =	strace $0x80000046;
	[dreg:$0x1] =	wrdreg $0xFFFFFFFF  }
0xa8: {  	s28 =	simm.s32 $_size_execute0_lowered;
	s4 =	sadd.s32 s4, s5;
	[dreg:$0x0] =	wrdreg $0x0  }
0xa9: {  	s5 =	sshll.u32 s28, $0x1;
	[dreg:$0x2] =	wrdreg s4  }
0xaa: {  	[dreg:$0x3] =	wrdreg s5  }
0xab: {  	[dreg:$0x4] =	wrdreg $0xC0  }
0xac: {  	_ =	task [dreg:s8], $0x5FFFF  }
0xad: {  	[dreg:$0x1] =	wrdreg $0xFFFFFFFF  }
0xae: {  	[dreg:$0x0] =	wrdreg $0x60  }
0xaf: {  	[dreg:$0x2] =	wrdreg s2  }
0xb0: {  	[dreg:$0x3] =	wrdreg s19  }
0xb1: {  	[dreg:$0x4] =	wrdreg $0x9  }
0xb2: {  	_ =	task.clear_ibuf [dreg:s8], $0x5FFFF;
	_ =	strace $0x90000046  }
0xb3: {  	s29 =	simm.s32 $0x9;
	_ =	strace $0x80000048  }
0xb4: {  	_ =	swait.ge [sflag:s29], $0x1  }
0xb5: {  	[sflag:s29] =	ssyncadd.s32 $0xFFFFFFFF  }
0xb6: {  	_ =	strace $0x90000048  }
0xb7: {  	_ =	sfence  }
0xb8: {  	s30 =	sld [smem:$0x0];
	_ =	sdelay $0x2  }
0xb9: {  	s31 =	sshll.u32 s1, $0xD;
	s1 =	sshrl.u32 s1, $0x2  }
0xba: {  	s3 =	sand.u32 $0x4000, s31;
	s1 =	sadd.s32 s1, s30  }
0xbb: {  	s0 =	sor.u32 s3, s0;
	s1 =	sshll.u32 s1, $0x11  }
0xbc: {  	s0 =	sor.u32 s1, s0  }
0xbd: {  	s0 =	sadd.s32 $0x8F2B, s0  }
0xbe: {  	[sflag:s0] =	ssyncadd.remote.s32 $0x1  }
0xbf: {  	_ =	sfence.sel $0xFFFF  }
0xc0: {  	[dreg:$0x0] =	wrdreg $0xFFFFFFFF;
	(pc) =	sbr.abs _section_cstart, $3  }
0xc1: {  	[dreg:$0x1] =	wrdreg $0xFFFFFFFF  }
0xc2: {  	_ =	task.clear_ibuf [dreg:s8], $0x2FFFF;
	_ =	strace $0x9FFFFFFF  }
0xc3: {  	(tm) =	ssettm $0x7FFFFFFF  }
tec
execute0_lowered:
.L_overlay_start_1:
0x0: {  	(tag) =	ssettag $0x1  }
0x1: {  	v0 =	vimm.f32 $0.0e+00  }
0x2: {  	v1 =	vimm.s32 $0x2380;
	vm0 =	vcmask $0x300;
	v2 =	vimm.s32 $0x6380  }
0x3: {  	vm1 =	vcmask $0x704;
	v1 =	vsel vm0, $0x0, v1;
	v2 =	vsel vm0, $0x4000, v2  }
0x4: {  	vm15 =	vcmask $0xB08;
	v1 =	vsel vm1, $0x80, v1;
	v2 =	vsel vm1, $0x4080, v2  }
0x5: {  	s4 =	rddreg [dreg:$0x0];
	vm4 =	vcmask $0xF0C;
	v1 =	vsel vm15, $0x100, v1;
	v2 =	vsel vm15, $0x4100, v2  }
0x6: {  	s9 =	rddreg [dreg:$0x1];
	s2 =	srdreg.scid;
	vm5 =	vcmask $0x1310;
	v1 =	vsel vm4, $0x180, v1;
	v2 =	vsel vm4, $0x4180, v2  }
0x7: {  	s0 =	rddreg [dreg:$0x2];
	s1 =	stileid.u32;
	vm6 =	vcmask $0x1714;
	v1 =	vsel vm5, $0x200, v1;
	v2 =	vsel vm5, $0x4200, v2  }
0x8: {  	vm7 =	vcmask $0x1B18;
	s13 =	simm.s32 $0x8200;
	s14 =	simm.s32 $0xC200;
	s15 =	simm.s32 $0x1;
	v1 =	vsel vm6, $0x280, v1;
	v2 =	vsel vm6, $0x4280, v2  }
0x9: {  	vm8 =	vcmask $0x1F1C;
	s16 =	simm.s32 $0x2;
	s17 =	simm.s32 $0x0;
	s10 =	sand.u32 $0x1, s2;
	v1 =	vsel vm7, $0x300, v1;
	v2 =	vsel vm7, $0x4300, v2  }
0xa: {  	vm9 =	vcmask $0x2320;
	s2 =	simm.s32 $0x0;
	s3 =	sshll.u32 s1, $0xA;
	s12 =	sshll.u32 s1, $0x11;
	v1 =	vsel vm8, $0x380, v1;
	v2 =	vsel vm8, $0x4380, v2  }
0xb: {  	vm10 =	vcmask $0x2724;
	s5 =	sshll.u32 s10, $0x9;
	[smem:$0x7FF] =	sst s2;
	s31 =	ssub.s32 $0x2, s10;
	v1 =	vsel vm9, $0x2000, v1;
	v2 =	vsel vm9, $0x6000, v2  }
0xc: {  	vm11 =	vcmask $0x2B28;
	s10 =	sshll.u32 s10, $0x10;
	s3 =	sor.u32 s5, s3;
	_ =	strace $0x80000047;
	v1 =	vsel vm10, $0x2080, v1;
	v2 =	vsel vm10, $0x6080, v2  }
0xd: {  	vm12 =	vcmask $0x2F2C;
	s7 =	sshrl.u32 s31, $0x1;
	s6 =	sshll.u32 s3, $0x7;
	s8 =	sshrl.u32 s3, $0x3;
	v1 =	vsel vm11, $0x2100, v1;
	v2 =	vsel vm11, $0x6100, v2  }
0xe: {  	vm13 =	vcmask $0x3330;
	s11 =	ssub.s32 s31, s7;
	s3 =	sadd.s32 s9, s6;
	s4 =	sadd.s32 s4, s8;
	v1 =	vsel vm12, $0x2180, v1;
	v2 =	vsel vm12, $0x6180, v2  }
0xf: {  	vm14 =	vcmask $0x3734;
	s8 =	smax.u32 s11, $0x1;
	s9 =	sadd.s32 s12, s9;
	s11 =	simm.s32 $0x200;
	v1 =	vsel vm13, $0x2200, v1;
	v2 =	vsel vm13, $0x6200, v2  }
0x10: {  	vm15 =	vcmask $0x3B38;
	s12 =	simm.s32 $0x4200;
	s5 =	sadd.s32 $0x800, s3;
	s6 =	sadd.s32 $0x1000, s3;
	v1 =	vsel vm14, $0x2280, v1;
	v3 =	vsel vm14, $0x6280, v2  }
0x11: {  	s7 =	sadd.s32 $0x1800, s3;
	s9 =	sadd.s32 s10, s9;
	s10 =	simm.s32 $0x3;
	v2 =	vimm.f32 $1.000000000e+00;
	v1 =	vsel vm15, $0x2300, v1;
	v3 =	vsel vm15, $0x6300, v3  }
.LBB2_1:
0x12: {  	[tilespmem:s2], [sflag:$0x3] =	stream.linear.gather [hbm4b:s4+s2], $0x200, $0x38;
	[tilespmem:$0x10200] =	vst v63  }
0x13: {  	s18 =	simm.s32 $0x0  }
0x14: {  	s19 =	sand.u32 $0x1C00, s2;
	s20 =	simm.s32 $0x0;
	s18 =	sand.u32 $0x2000, s18  }
0x15: {  	s20 =	sand.u32 $0x380, s20;
	s18 =	sor.u32 s19, s18  }
0x16: {  	s18 =	sor.u32 s18, s20  }
0x17: {  	[tilespmem:s18+$0x270] =	vst v0  }
0x18: {  	[tilespmem:s18+$0x200] =	vst v0  }
0x19: {  	s19 =	simm.s32 $0x0;
	s20 =	simm.s32 $0x0;
	[tilespmem:s18+$0x210] =	vst v0  }
.LBB2_2:
0x1a: {  	s19 =	sadd.s32 $0x8, s19;
	[tilespmem:s18+$0x220] =	vst v0  }
0x1b: {  	s20 =	sadd.s32 $0x400, s20;
	s21 =	sshll.u32 s19, $0x4;
	p0 =	slt.u32 s19, $0x3F8;
	[tilespmem:s18+$0x230] =	vst v0  }
0x1c: {  	s22 =	sand.u32 $0x1C00, s20;
	s23 =	sshll.u32 s19, $0x1;
	s21 =	sand.u32 $0x2000, s21;
	[tilespmem:s18+$0x240] =	vst v0  }
.Ltmp0:
0x1d: {  	s23 =	sand.u32 $0x380, s23;
	s21 =	sor.u32 s22, s21;
	[tilespmem:s18+$0x250] =	vst v0;
	(pc) =	sbr.rel @p0 .LBB2_2-.Ltmp0, $4  }
0x1e: {  	[tilespmem:s18+$0x260] =	vst v0;
	s18 =	sor.u32 s21, s23  }
0x1f: {  	[tilespmem:s18+$0x270] =	vst v0  }
0x20: {  	[tilespmem:s18+$0x200] =	vst v0  }
0x21: {  	[tilespmem:s18+$0x210] =	vst v0  }
0x22: {  	[tilespmem:s18+$0x220] =	vst v0  }
0x23: {  	[tilespmem:s18+$0x230] =	vst v0  }
0x24: {  	[tilespmem:s18+$0x240] =	vst v0  }
0x25: {  	[tilespmem:s18+$0x250] =	vst v0  }
0x26: {  	[tilespmem:s18+$0x260] =	vst v0  }
0x27: {  	_ =	swait.ge [sflag:s10], $0x200  }
0x28: {  	[sflag:s10] =	ssyncset.done $0x0  }
0x29: {  	[sflag:s10] =	ssyncadd.s32 $0xFFFFFE00  }
0x2a: {  	v4 =	vld [tilespmem:$0x0];
	_ =	sdelay $0x4  }
0x2b: {  	v5 =	vshll.u32 v4, $0x3  }
0x2c: {  	v4 =	vand.u32 $0x7F, v4;
	v5 =	vand.u32 $0x1C00, v5  }
0x2d: {  	v4 =	vor.u32 v5, v4  }
0x2e: {  	v4 =	vor.u32 v1, v4;
	_ =	sdelay $0x1  }
0x2f: {  	s18 =	simm.s32 $0x0;
	s19 =	simm.s32 $0x0  }
0x30: {  	s21 =	simm.s32 $0x0;
	s19 =	sand.u32 $0x2000, s19;
	s20 =	sand.u32 $0x1C00, s18  }
0x31: {  	s21 =	sand.u32 $0x380, s21;
	s19 =	sor.u32 s20, s19  }
0x32: {  	s19 =	sor.u32 s21, s19;
	[tilespmem:v4+s11+$0x0] =	vst.idx.msk $0xffff, v2  }
0x33: {  	[hbm4b:s3+s18] =	stream.linear.scatter [tilespmem:s11], [sflag:$0x1], $0x4000, $0x38;
	[tilespmem:$0x10200] =	vst v63  }
0x34: {  	[tilespmem:s19+$0x4270] =	vst v0  }
0x35: {  	[tilespmem:s19+$0x4200] =	vst v0  }
0x36: {  	s20 =	simm.s32 $0x0;
	[tilespmem:s19+$0x4210] =	vst v0  }
.LBB2_4:
0x37: {  	s20 =	sadd.s32 $0x8, s20;
	[tilespmem:s19+$0x4220] =	vst v0  }
0x38: {  	s18 =	sadd.s32 $0x400, s18;
	s21 =	sshll.u32 s20, $0x4;
	p0 =	slt.u32 s20, $0x3F8;
	[tilespmem:s19+$0x4230] =	vst v0  }
0x39: {  	s22 =	sand.u32 $0x1C00, s18;
	s23 =	sshll.u32 s20, $0x1;
	s21 =	sand.u32 $0x2000, s21;
	[tilespmem:s19+$0x4240] =	vst v0  }
.Ltmp1:
0x3a: {  	s23 =	sand.u32 $0x380, s23;
	s21 =	sor.u32 s22, s21;
	[tilespmem:s19+$0x4250] =	vst v0;
	(pc) =	sbr.rel @p0 .LBB2_4-.Ltmp1, $4  }
0x3b: {  	[tilespmem:s19+$0x4260] =	vst v0;
	s19 =	sor.u32 s23, s21  }
0x3c: {  	[tilespmem:s19+$0x4270] =	vst v0  }
0x3d: {  	[tilespmem:s19+$0x4200] =	vst v0  }
0x3e: {  	[tilespmem:s19+$0x4210] =	vst v0  }
0x3f: {  	[tilespmem:s19+$0x4220] =	vst v0  }
0x40: {  	[tilespmem:s19+$0x4230] =	vst v0  }
0x41: {  	[tilespmem:s19+$0x4240] =	vst v0  }
0x42: {  	[tilespmem:s19+$0x4250] =	vst v0  }
0x43: {  	[tilespmem:s19+$0x4260] =	vst v0  }
0x44: {  	v4 =	vld [tilespmem:$0x10];
	_ =	sdelay $0x4  }
0x45: {  	v5 =	vshll.u32 v4, $0x3  }
0x46: {  	v4 =	vand.u32 $0x7F, v4;
	v5 =	vand.u32 $0x1C00, v5  }
0x47: {  	v4 =	vor.u32 v5, v4  }
0x48: {  	v4 =	vor.u32 v3, v4;
	_ =	sdelay $0x1  }
0x49: {  	s18 =	simm.s32 $0x0;
	s31 =	simm.s32 $0x0  }
0x4a: {  	s21 =	simm.s32 $0x0;
	s19 =	sand.u32 $0x2000, s31;
	s20 =	sand.u32 $0x1C00, s18  }
0x4b: {  	s21 =	sand.u32 $0x380, s21;
	s19 =	sor.u32 s20, s19  }
0x4c: {  	s19 =	sor.u32 s19, s21;
	[tilespmem:v4+s11+$0x0] =	vst.idx.msk $0xffff, v2  }
0x4d: {  	[hbm4b:s5+s18] =	stream.linear.scatter [tilespmem:s12], [sflag:$0x1], $0x4000, $0x38;
	[tilespmem:$0x10200] =	vst v63  }
0x4e: {  	[tilespmem:s19+$0x8270] =	vst v0  }
0x4f: {  	[tilespmem:s19+$0x8200] =	vst v0  }
0x50: {  	s20 =	simm.s32 $0x0;
	[tilespmem:s19+$0x8210] =	vst v0  }
.LBB2_6:
0x51: {  	s20 =	sadd.s32 $0x8, s20;
	[tilespmem:s19+$0x8220] =	vst v0  }
0x52: {  	s18 =	sadd.s32 $0x400, s18;
	s21 =	sshll.u32 s20, $0x4;
	p0 =	slt.u32 s20, $0x3F8;
	[tilespmem:s19+$0x8230] =	vst v0  }
0x53: {  	s22 =	sand.u32 $0x1C00, s18;
	s23 =	sshll.u32 s20, $0x1;
	s21 =	sand.u32 $0x2000, s21;
	[tilespmem:s19+$0x8240] =	vst v0  }
.Ltmp2:
0x54: {  	s23 =	sand.u32 $0x380, s23;
	s21 =	sor.u32 s22, s21;
	[tilespmem:s19+$0x8250] =	vst v0;
	(pc) =	sbr.rel @p0 .LBB2_6-.Ltmp2, $4  }
0x55: {  	[tilespmem:s19+$0x8260] =	vst v0;
	s19 =	sor.u32 s21, s23  }
0x56: {  	[tilespmem:s19+$0x8270] =	vst v0  }
0x57: {  	[tilespmem:s19+$0x8200] =	vst v0  }
0x58: {  	[tilespmem:s19+$0x8210] =	vst v0  }
0x59: {  	[tilespmem:s19+$0x8220] =	vst v0  }
0x5a: {  	[tilespmem:s19+$0x8230] =	vst v0  }
0x5b: {  	[tilespmem:s19+$0x8240] =	vst v0  }
0x5c: {  	[tilespmem:s19+$0x8250] =	vst v0  }
0x5d: {  	[tilespmem:s19+$0x8260] =	vst v0  }
0x5e: {  	v4 =	vld [tilespmem:$0x20];
	_ =	sdelay $0x4  }
0x5f: {  	v5 =	vshll.u32 v4, $0x3  }
0x60: {  	v4 =	vand.u32 $0x7F, v4;
	v5 =	vand.u32 $0x1C00, v5  }
0x61: {  	v4 =	vor.u32 v5, v4  }
0x62: {  	v4 =	vor.u32 v1, v4;
	_ =	sdelay $0x1  }
0x63: {  	s18 =	simm.s32 $0x0;
	s31 =	simm.s32 $0x0  }
0x64: {  	s21 =	simm.s32 $0x0;
	s19 =	sand.u32 $0x2000, s31;
	s20 =	sand.u32 $0x1C00, s18  }
0x65: {  	s21 =	sand.u32 $0x380, s21;
	s19 =	sor.u32 s20, s19  }
0x66: {  	s19 =	sor.u32 s21, s19;
	[tilespmem:v4+s13+$0x0] =	vst.idx.msk $0xffff, v2  }
0x67: {  	[hbm4b:s6+s18] =	stream.linear.scatter [tilespmem:s13], [sflag:$0x2], $0x4000, $0x38;
	[tilespmem:$0x10200] =	vst v63  }
0x68: {  	[tilespmem:s19+$0xC270] =	vst v0  }
0x69: {  	[tilespmem:s19+$0xC200] =	vst v0  }
0x6a: {  	s20 =	simm.s32 $0x0;
	[tilespmem:s19+$0xC210] =	vst v0  }
.LBB2_8:
0x6b: {  	s20 =	sadd.s32 $0x8, s20;
	[tilespmem:s19+$0xC220] =	vst v0  }
0x6c: {  	s18 =	sadd.s32 $0x400, s18;
	s21 =	sshll.u32 s20, $0x4;
	p0 =	slt.u32 s20, $0x3F8;
	[tilespmem:s19+$0xC230] =	vst v0  }
0x6d: {  	s22 =	sand.u32 $0x1C00, s18;
	s23 =	sshll.u32 s20, $0x1;
	s21 =	sand.u32 $0x2000, s21;
	[tilespmem:s19+$0xC240] =	vst v0  }
.Ltmp3:
0x6e: {  	s23 =	sand.u32 $0x380, s23;
	s21 =	sor.u32 s22, s21;
	[tilespmem:s19+$0xC250] =	vst v0;
	(pc) =	sbr.rel @p0 .LBB2_8-.Ltmp3, $4  }
0x6f: {  	[tilespmem:s19+$0xC260] =	vst v0;
	s19 =	sor.u32 s23, s21  }
0x70: {  	[tilespmem:s19+$0xC270] =	vst v0  }
0x71: {  	[tilespmem:s19+$0xC200] =	vst v0  }
0x72: {  	[tilespmem:s19+$0xC210] =	vst v0  }
0x73: {  	[tilespmem:s19+$0xC220] =	vst v0  }
0x74: {  	[tilespmem:s19+$0xC230] =	vst v0  }
0x75: {  	[tilespmem:s19+$0xC240] =	vst v0  }
0x76: {  	[tilespmem:s19+$0xC250] =	vst v0  }
0x77: {  	[tilespmem:s19+$0xC260] =	vst v0  }
0x78: {  	v4 =	vld [tilespmem:$0x30];
	_ =	sdelay $0x4  }
0x79: {  	v5 =	vshll.u32 v4, $0x3  }
0x7a: {  	v4 =	vand.u32 $0x7F, v4;
	v5 =	vand.u32 $0x1C00, v5  }
0x7b: {  	v4 =	vor.u32 v5, v4  }
0x7c: {  	v4 =	vor.u32 v3, v4;
	_ =	sdelay $0x4  }
0x7d: {  	s18 =	simm.s32 $0xFFFF2000;
	s19 =	simm.s32 $0x40;
	[tilespmem:v4+s13+$0x0] =	vst.idx.msk $0xffff, v2  }
0x7e: {  	[hbm4b:s7+s2] =	stream.linear.scatter [tilespmem:s14], [sflag:$0x2], $0x4000, $0x38;
	[tilespmem:$0x10200] =	vst v63  }
.LBB2_10:
0x7f: {  	_ =	swait.ge [sflag:s15], $0x8000  }
0x80: {  	[sflag:s15] =	ssyncset.done $0x0  }
0x81: {  	[sflag:s15] =	ssyncadd.s32 $0xFFFF8000  }
0x82: {  	v4 =	vld [tilespmem:s19+$0xFFFFFFC0]  }
0x83: {  	v5 =	vld [tilespmem:s19+$0xFFFFFFD0];
	_ =	sdelay $0x3  }
0x84: {  	v6 =	vshll.u32 v4, $0x3  }
0x85: {  	v4 =	vand.u32 $0x7F, v4;
	v7 =	vshll.u32 v5, $0x3;
	v6 =	vand.u32 $0x1C00, v6  }
0x86: {  	v5 =	vand.u32 $0x7F, v5;
	v54 =	vand.u32 $0x1C00, v7;
	v4 =	vor.u32 v6, v4  }
0x87: {  	v5 =	vor.u32 v54, v5;
	v4 =	vor.u32 v1, v4  }
0x88: {  	v5 =	vor.u32 v3, v5;
	_ =	sdelay $0x3  }
0x89: {  	[tilespmem:v4+s11+$0x0] =	vst.idx.msk $0xffff, v0  }
0x8a: {  	[tilespmem:v5+s11+$0x0] =	vst.idx.msk $0xffff, v0  }
0x8b: {  	v4 =	vld [tilespmem:s19+$0x0]  }
0x8c: {  	v5 =	vld [tilespmem:s19+$0x10];
	_ =	sdelay $0x3  }
0x8d: {  	v55 =	vshll.u32 v4, $0x3  }
0x8e: {  	v4 =	vand.u32 $0x7F, v4;
	v56 =	vshll.u32 v5, $0x3;
	v6 =	vand.u32 $0x1C00, v55  }
0x8f: {  	v5 =	vand.u32 $0x7F, v5;
	v57 =	vand.u32 $0x1C00, v56;
	v4 =	vor.u32 v6, v4  }
0x90: {  	v5 =	vor.u32 v57, v5;
	v4 =	vor.u32 v1, v4  }
0x91: {  	v5 =	vor.u32 v3, v5;
	_ =	sdelay $0x3  }
0x92: {  	s20 =	sadd.s32 s18, s9;
	[tilespmem:v4+s11+$0x0] =	vst.idx.msk $0xffff, v2  }
0x93: {  	s21 =	sadd.s32 $0x10000, s20;
	[tilespmem:v5+s11+$0x0] =	vst.idx.msk $0xffff, v2  }
0x94: {  	[hbm4b:s21+s2] =	stream.linear.scatter [tilespmem:s11], [sflag:$0x1], $0x8000, $0x38;
	[tilespmem:$0x10200] =	vst v63  }
0x95: {  	_ =	swait.ge [sflag:s16], $0x8000  }
0x96: {  	[sflag:s16] =	ssyncset.done $0x0  }
0x97: {  	[sflag:s16] =	ssyncadd.s32 $0xFFFF8000  }
0x98: {  	v4 =	vld [tilespmem:s19+$0xFFFFFFE0]  }
0x99: {  	v5 =	vld [tilespmem:s19+$0xFFFFFFF0];
	_ =	sdelay $0x3  }
0x9a: {  	v58 =	vshll.u32 v4, $0x3  }
0x9b: {  	v4 =	vand.u32 $0x7F, v4;
	v59 =	vshll.u32 v5, $0x3;
	v6 =	vand.u32 $0x1C00, v58  }
0x9c: {  	v5 =	vand.u32 $0x7F, v5;
	v60 =	vand.u32 $0x1C00, v59;
	v4 =	vor.u32 v6, v4  }
0x9d: {  	v5 =	vor.u32 v60, v5;
	v4 =	vor.u32 v1, v4  }
0x9e: {  	v5 =	vor.u32 v3, v5;
	_ =	sdelay $0x3  }
0x9f: {  	[tilespmem:v4+s13+$0x0] =	vst.idx.msk $0xffff, v0  }
0xa0: {  	[tilespmem:v5+s13+$0x0] =	vst.idx.msk $0xffff, v0  }
0xa1: {  	v4 =	vld [tilespmem:s19+$0x20]  }
0xa2: {  	v5 =	vld [tilespmem:s19+$0x30];
	_ =	sdelay $0x3  }
0xa3: {  	v61 =	vshll.u32 v4, $0x3  }
0xa4: {  	v4 =	vand.u32 $0x7F, v4;
	v62 =	vshll.u32 v5, $0x3;
	v6 =	vand.u32 $0x1C00, v61  }
0xa5: {  	v5 =	vand.u32 $0x7F, v5;
	v63 =	vand.u32 $0x1C00, v62;
	v4 =	vor.u32 v6, v4  }
0xa6: {  	v5 =	vor.u32 v63, v5;
	v4 =	vor.u32 v1, v4  }
0xa7: {  	v5 =	vor.u32 v3, v5  }
0xa8: {  	p0 =	sne.s32 s18, $0xFFFFE000  }
.Ltmp4:
0xa9: {  	_ = 	snop;
	(pc) =	sbr.rel @p0 .LBB2_10-.Ltmp4, $4  }
0xaa: {  	_ = 	snop  }
0xab: {  	[tilespmem:v4+s13+$0x0] =	vst.idx.msk $0xffff, v2  }
0xac: {  	s18 =	sadd.s32 $0x2000, s18;
	s20 =	sadd.s32 $0x11000, s20;
	s19 =	sadd.s32 $0x40, s19;
	[tilespmem:v5+s13+$0x0] =	vst.idx.msk $0xffff, v2  }
0xad: {  	[hbm4b:s20+s2] =	stream.linear.scatter [tilespmem:s13], [sflag:$0x2], $0x8000, $0x38;
	[tilespmem:$0x10200] =	vst v63  }
0xae: {  	s17 =	sadd.s32 $0x1, s17  }
0xaf: {  	_ =	swait.ge [sflag:s15], $0x8000;
	p0 =	sne.s32 s17, s8  }
.Ltmp5:
0xb0: {  	[sflag:s15] =	ssyncset.done $0x0;
	(pc) =	sbr.rel @p0 .LBB2_1-.Ltmp5, $4  }
0xb1: {  	[sflag:s15] =	ssyncadd.s32 $0xFFFF8000  }
0xb2: {  	_ =	swait.ge [sflag:s16], $0x8000  }
0xb3: {  	[sflag:s16] =	ssyncset.done $0x0  }
0xb4: {  	[sflag:s16] =	ssyncadd.s32 $0xFFFF8000  }
0xb5: {  	_ =	sfence.sel $0x180000  }
0xb6: {  	[bflag:$0x0] =	sbarrier.arrive $0xFFFF  }
0xb7: {  	p0 =	sne.s32 s1, $0x0;
	_ =	strace $0x90000047  }
0xb8: {  	s0 =	sadd.s32 @!p0 $0x100000, s0;
	[bflag:$0x2] =	sbarrier.arrive $0xFFFF  }
0xb9: {  	[sflag:s0] =	ssyncadd.tile.s32 @!p0 $0x1;
	_ =	shalt  }
.Lfunc_end2:
_tile_overlayer_lowered:
.L_overlay_start_2:
0xba: {  	(tag) =	ssettag $0x2  }
0xbb: {  	s0 =	rddreg [dreg:$0x0];
	s2 =	stileid.u32  }
0xbc: {  	s1 =	rddreg [dreg:$0x1];
	p0 =	sne.s32 s2, $0x0  }
0xbd: {  	s3 =	rddreg [dreg:$0x2];
	[bflag:$0x3] =	sbarrier.arrive $0xFFFF;
	s2 =	simm.s32 @!p0 $0x1C04  }
0xbe: {  	[timem:s3], [sflag:s2] =	dma.local @!p0 [hbm:s0], s1  }
0xbf: {  	s0 =	simm.s32 @!p0 $0x4  }
0xc0: {  	_ =	swait.ge @!p0 [sflag:s0], s1  }
0xc1: {  	s1 =	ssub.s32 @!p0 $0x0, s1;
	[sflag:s0] =	ssyncset.done @!p0 $0x0  }
0xc2: {  	[sflag:s0] =	ssyncadd.s32 @!p0 s1  }
0xc3: {  	[bflag:$0x3] =	sbarrier.arrive $0xFFFF  }
0xc4: {  	_ =	shalt  }

</sc_bundles>
